<compile_context>
chip_gen: v7x
topology: tpu7x:2x2x1
jax: 0.10.2.dev20260603
libtpu: 0.0.44.dev20260713+nightly
codegen_flags: <defaults>
</compile_context>

<pallas_src>
import functools

import jax
import jax.numpy as jnp
from jax import lax
from jax.experimental import pallas as pl
from jax.experimental.pallas import tpu as pltpu
from jax.experimental.pallas import tpu_sc as plsc

_NC = 2
_NS = 16
_NW = _NC * _NS
_L = 16


def _make_sc_partials(n_neurons, n_pad, n_edges, batch, chunk):
    slices = _NW // batch
    epw = n_edges // slices
    chunks_pw = epw // chunk
    assert epw * slices == n_edges and chunks_pw * chunk == epw
    assert chunk % _L == 0 and chunk % 8 == 0 and chunks_pw % 2 == 0

    mesh = plsc.VectorSubcoreMesh(
        core_axis_name="c", subcore_axis_name="s",
        num_cores=_NC, num_subcores=_NS)

    @functools.partial(
        pl.kernel,
        out_type=jax.ShapeDtypeStruct((_NW * n_pad,), jnp.float32),
        mesh=mesh,
        scratch_types=[
            pltpu.VMEM((n_neurons,), jnp.float32),
            pltpu.VMEM((n_neurons,), jnp.float32),
            pltpu.VMEM((2 * chunk,), jnp.int32),
            pltpu.VMEM((2 * chunk,), jnp.int32),
            pltpu.SemaphoreType.DMA,
            pltpu.SemaphoreType.DMA,
            pltpu.SemaphoreType.DMA,
        ],
        compiler_params=pltpu.CompilerParams(needs_layout_passes=False),
    )
    def sc_partials(z_hbm, edata_hbm, part_hbm,
                    z_v, acc_v, ed0, ed1,
                    sem0, sem1, semz):
        wid = lax.axis_index("s") * _NC + lax.axis_index("c")
        b = wid % batch
        s = wid // batch
        zcopy = pltpu.async_copy(
            z_hbm.at[pl.ds(b * n_neurons, n_neurons)], z_v, semz)

        zero = jnp.zeros((_L,), jnp.float32)

        @plsc.parallel_loop(0, n_neurons // _L, unroll=8)
        def _(i):
            acc_v[pl.ds(i * _L, _L)] = zero
        zcopy.wait()

        base = s * chunks_pw
        bufs = (ed0, ed1)
        sems = (sem0, sem1)

        def start(g, slot):
            off = (base + g) * 2 * chunk
            pltpu.async_copy(edata_hbm.at[pl.ds(off, 2 * chunk)],
                             bufs[slot], sems[slot])

        def drain(g, slot):
            off = (base + g) * 2 * chunk
            pltpu.make_async_copy(edata_hbm.at[pl.ds(off, 2 * chunk)],
                                  bufs[slot], sems[slot]).wait()

        start(0, 0)
        start(1, 1)

        def pair_body(gp, carry):
            for slot in range(2):
                g = gp * 2 + slot
                drain(g, slot)
                ev = bufs[slot]

                @plsc.parallel_loop(0, chunk // _L, unroll=16)
                def _(j):
                    pp = ev[pl.ds(j * _L, _L)]
                    w = plsc.bitcast(ev[pl.ds(chunk + j * _L, _L)],
                                     jnp.float32)
                    pre = lax.shift_right_logical(pp, 16)
                    post = lax.bitwise_and(pp, 0xFFFF)
                    zg = plsc.load_gather(z_v, [pre])
                    plsc.addupdate_scatter(acc_v, [post], zg * w,
                                           mask=zg > 0.0)

                @pl.when(g + 2 < chunks_pw)
                def _():
                    start(g + 2, slot)
            return carry
        lax.fori_loop(0, chunks_pw // 2, pair_body, 0)

        row = b * slices + s
        pltpu.sync_copy(acc_v, part_hbm.at[pl.ds(row * n_pad, n_neurons)])

    return sc_partials


def _pack_body(n_edges, e_ref, w_ref, out_ref):
    chunk = w_ref.shape[0]
    c = pl.program_id(0)
    pos = jax.lax.broadcasted_iota(jnp.int32, (chunk,), 0) + c * chunk
    valid = pos < n_edges
    pp = jnp.bitwise_or(jnp.left_shift(e_ref[1], 16), e_ref[0])
    wb = jax.lax.bitcast_convert_type(w_ref[...], jnp.int32)
    out_ref[pl.ds(0, chunk)] = jnp.where(valid, pp, 0)
    out_ref[pl.ds(chunk, chunk)] = jnp.where(valid, wb, 0)


def _lif_body(p_ref, v_ref, decay_ref, cf_ref, vth_ref, vreset_ref, out_ref):
    n = v_ref.shape[1]
    rec = jnp.sum(p_ref[...], axis=1)[:, :n]
    v = v_ref[...]
    decay = decay_ref[...]
    cf = cf_ref[...]
    vth = vth_ref[...]
    vreset = vreset_ref[...]
    new_v = decay * v + cf * rec
    v_scaled = (new_v - vth) / jnp.maximum(vth - vreset, 1e-6)
    new_z = (v_scaled > 0.0).astype(jnp.float32)
    out_ref[0] = new_z
    out_ref[1] = new_v - new_z * (vth - vreset)


def kernel(z, v, edge_index, weights, decay, current_factor, v_th, v_reset):
    batch, n = z.shape
    n_edges = weights.shape[0]
    chunk = 4096
    n_pad = -(-n // 128) * 128
    slices = _NW // batch

    nlast = -(-n_edges // chunk) - 1
    chunks_pw = -(-(nlast + 1) // slices)
    chunks_pw += chunks_pw % 2
    n_chunks = chunks_pw * slices
    ep = n_chunks * chunk

    edata = pl.pallas_call(
        functools.partial(_pack_body, n_edges),
        grid=(n_chunks,),
        in_specs=[
            pl.BlockSpec((2, chunk), lambda c: (0, jnp.minimum(c, nlast))),
            pl.BlockSpec((chunk,), lambda c: (jnp.minimum(c, nlast),)),
        ],
        out_specs=pl.BlockSpec((2 * chunk,), lambda c: (c,)),
        out_shape=jax.ShapeDtypeStruct((2 * ep,), jnp.int32),
    )(edge_index, weights)
    sc = _make_sc_partials(n, n_pad, ep, batch, chunk)
    partials = sc(z.reshape(-1), edata)
    partials = partials.reshape(batch, _NW // batch, n_pad)

    d2 = decay.reshape(1, n)
    cf2 = current_factor.reshape(1, n)
    vth2 = v_th.reshape(1, n)
    vr2 = v_reset.reshape(1, n)
    return pl.pallas_call(
        _lif_body,
        out_shape=jax.ShapeDtypeStruct((2, batch, n), jnp.float32),
    )(partials, v, d2, cf2, vth2, vr2)

# --- scband reference (transcript-rebuilt; emitter-appended) ---
"""Pipeline reference for scband-billeh-column-4861902979703 (READ-ONLY COPY).

The authoritative reference and input builder live on the scoring server;
editing this copy changes nothing except your own understanding.
"""

import jax, jax.numpy as jnp
import numpy as np

N_NEURONS = 50000
N_EDGES = 1600000
BATCH = 4
DAMPENING = 0.3
REC_DAMPENING = 0.5

@jax.custom_vjp
def spike_function(v_scaled, dampening_factor):
    return (v_scaled > 0.0).astype(jnp.float32)

def _spike_fwd(v_scaled, dampening_factor):
    return (v_scaled > 0.0).astype(jnp.float32), (v_scaled, dampening_factor)

def _spike_bwd(res, g):
    v_scaled, dampening_factor = res
    dz_dv = dampening_factor * jnp.maximum(1.0 - jnp.abs(v_scaled), 0.0)
    return (g * dz_dv, jnp.zeros_like(dampening_factor))

spike_function.defvjp(_spike_fwd, _spike_bwd)

def setup_inputs(seed: int = 0):
    key = jax.random.key(seed)
    ks = jax.random.split(key, 8)
    # previous-step spikes (sparse ~2% firing) and membrane voltages
    z = (jax.random.uniform(ks[0], (BATCH, N_NEURONS), dtype=jnp.float32) < 0.02).astype(jnp.float32)
    v = 0.5 + 0.2 * jax.random.normal(ks[1], (BATCH, N_NEURONS), dtype=jnp.float32)
    # synapse list: row 0 = postsynaptic index, row 1 = presynaptic index
    edge_index = jax.random.randint(ks[2], (2, N_EDGES), 0, N_NEURONS, dtype=jnp.int32)
    # learned recurrent synaptic weights (per-synapse scalar)
    weights = 0.05 * jax.random.normal(ks[3], (N_EDGES,), dtype=jnp.float32) / np.sqrt(N_EDGES / N_NEURONS)
    # per-neuron LIF parameters derived from C_m / g (normalized voltage scale)
    tau = 10.0 + 20.0 * jax.random.uniform(ks[4], (N_NEURONS,), dtype=jnp.float32)
    decay = jnp.exp(-1.0 / tau)
    current_factor = (1.0 - decay) * tau
    v_th = jnp.ones((N_NEURONS,), dtype=jnp.float32)
    v_reset = jnp.zeros((N_NEURONS,), dtype=jnp.float32)
    return {"z": z, "v": v, "edge_index": edge_index, "weights": weights,
            "decay": decay, "current_factor": current_factor, "v_th": v_th, "v_reset": v_reset}

def reference(z, v, edge_index, weights, decay, current_factor, v_th, v_reset):
    post = edge_index[0]
    pre = edge_index[1]
    # recurrent dampening of spike gradients (as in BillehColumn)
    rec_z = REC_DAMPENING * z + (1.0 - REC_DAMPENING) * jax.lax.stop_gradient(z)
    # gather presynaptic spikes per synapse, weight them (memory-bound gather)
    gathered = jnp.take(rec_z, pre, axis=1) * weights[None, :]
    # scatter-add synaptic currents onto postsynaptic neurons
    rec_input = jnp.zeros((z.shape[0], z.shape[1]), dtype=z.dtype).at[:, post].add(gathered)
    # LIF membrane update
    new_v = decay[None, :] * v + current_factor[None, :] * rec_input
    v_scaled = (new_v - v_th[None, :]) / jnp.maximum(v_th[None, :] - v_reset[None, :], 1e-6)
    new_z = spike_function(v_scaled, jnp.float32(DAMPENING))
    # soft reset (hard_reset=False)
    reset_v = new_v - new_z * (v_th[None, :] - v_reset[None, :])
    return jnp.stack([new_z, reset_v], axis=0)

if __name__ == "__main__":
    import jax
    _d = setup_inputs()
    print(jax.jit(kernel)(*tuple(_d.values())))

</pallas_src>

<mosaic_0001>
#map = affine_map<(d0, d1) -> (0)>
module attributes {stable_mosaic.version = 14 : i64} {
  func.func @sc_partials(%arg0: i32, %arg1: i32, %arg2: memref<200000xf32, #tpu.memory_space<hbm>>, %arg3: memref<3276800xi32, #tpu.memory_space<hbm>>, %arg4: memref<1601536xf32, #tpu.memory_space<hbm>>, %arg5: memref<50000xf32, #tpu.memory_space<vmem>>, %arg6: memref<50000xf32, #tpu.memory_space<vmem>>, %arg7: memref<8192xi32, #tpu.memory_space<vmem>>, %arg8: memref<8192xi32, #tpu.memory_space<vmem>>, %arg9: memref<!tpu.dma_semaphore, #tpu.memory_space<semaphore_mem>>, %arg10: memref<!tpu.dma_semaphore, #tpu.memory_space<semaphore_mem>>, %arg11: memref<!tpu.dma_semaphore, #tpu.memory_space<semaphore_mem>>) attributes {dimension_semantics = [#tpu.dimension_semantics<core_parallel>, #tpu.dimension_semantics<subcore_parallel>], iteration_bounds = array<i64: 2, 16>, scalar_prefetch = 0 : i64, scratch_operands = 7 : i64, tpu.core_type = #tpu.core_type<sc_vector_subcore>, window_params = [{transform_indices = #map}, {transform_indices = #map}, {transform_indices = #map}]} {
    %mul3A = arith.constant 2 : i32
    %mul3A_0 = arith.muli %arg1, %mul3A : i32
    %add3A = arith.addi %mul3A_0, %arg0 : i32
    %jit3A = arith.constant 4 : i32
    %eq3A = arith.constant 0 : i32
    %eq3A_1 = arith.cmpi eq, %jit3A, %eq3A : i32
    %jit3A_2 = arith.constant 1 : i32
    %select_n3A = arith.select %eq3A_1, %jit3A_2, %jit3A : i32
    %rem3A = arith.remsi %add3A, %select_n3A : i32
    %ne3A = arith.constant 0 : i32
    %ne3A_3 = arith.cmpi ne, %rem3A, %ne3A : i32
    %lt3A = arith.constant 0 : i32
    %lt3A_4 = arith.cmpi slt, %rem3A, %lt3A : i32
    %lt3A_5 = arith.constant 0 : i32
    %lt3A_6 = arith.cmpi slt, %select_n3A, %lt3A_5 : i32
    %ne3A_7 = arith.xori %lt3A_4, %lt3A_6 : i1
    %and3A = arith.andi %ne3A_7, %ne3A_3 : i1
    %add3A_8 = arith.addi %rem3A, %select_n3A : i32
    %select_n3A_9 = arith.select %and3A, %add3A_8, %rem3A : i32
    %jit3A_10 = arith.constant 4 : i32
    %div3A = arith.divsi %add3A, %jit3A_10 : i32
    %sign3A = arith.constant 0 : i32
    %sign3A_11 = arith.cmpi sgt, %add3A, %sign3A : i32
    %sign3A_12 = arith.extui %sign3A_11 : i1 to i32
    %sign3A_13 = arith.constant 0 : i32
    %sign3A_14 = arith.cmpi slt, %add3A, %sign3A_13 : i32
    %sign3A_15 = arith.extui %sign3A_14 : i1 to i32
    %sign3A_16 = arith.subi %sign3A_12, %sign3A_15 : i32
    %sign3A_17 = arith.constant 0 : i32
    %sign3A_18 = arith.cmpi sgt, %jit3A_10, %sign3A_17 : i32
    %sign3A_19 = arith.extui %sign3A_18 : i1 to i32
    %sign3A_20 = arith.constant 0 : i32
    %sign3A_21 = arith.cmpi slt, %jit3A_10, %sign3A_20 : i32
    %sign3A_22 = arith.extui %sign3A_21 : i1 to i32
    %sign3A_23 = arith.subi %sign3A_19, %sign3A_22 : i32
    %ne3A_24 = arith.cmpi ne, %sign3A_16, %sign3A_23 : i32
    %rem3A_25 = arith.remsi %add3A, %jit3A_10 : i32
    %ne3A_26 = arith.constant 0 : i32
    %ne3A_27 = arith.cmpi ne, %rem3A_25, %ne3A_26 : i32
    %and3A_28 = arith.andi %ne3A_24, %ne3A_27 : i1
    %sub3A = arith.constant 1 : i32
    %sub3A_29 = arith.subi %div3A, %sub3A : i32
    %select_n3A_30 = arith.select %and3A_28, %sub3A_29, %div3A : i32
    %mul3A_31 = arith.constant 50000 : i32
    %mul3A_32 = arith.muli %select_n3A_9, %mul3A_31 : i32
    %dma_start3A = tpu.memref_slice %arg2[%mul3A_32] : memref<200000xf32, #tpu.memory_space<hbm>> -> memref<50000xf32, #tpu.memory_space<hbm>>
    %dma_start3A_33 = tpu.memref_slice %arg2[%mul3A_32] : memref<200000xf32, #tpu.memory_space<hbm>> -> memref<50000xf32, #tpu.memory_space<hbm>>
    tpu.enqueue_dma source(%dma_start3A_33 : memref<50000xf32, #tpu.memory_space<hbm>>) target(%arg5 : memref<50000xf32, #tpu.memory_space<vmem>>) target_semaphore(%arg11 : memref<!tpu.dma_semaphore, #tpu.memory_space<semaphore_mem>>)
    %broadcast_in_dim3A = arith.constant 0.000000e+00 : f32
    %broadcast_in_dim3A_34 = vector.broadcast %broadcast_in_dim3A : f32 to vector<16xf32>
    %parallel_loop3A = arith.constant 0 : i32
    %parallel_loop3A_35 = arith.constant 3125 : i32
    %parallel_loop3A_36 = arith.constant 1 : i32
    scf.for %parallel_loop3A_66 = %parallel_loop3A to %parallel_loop3A_35 step %parallel_loop3A_36  : i32 {
      %parallel_loop3A_67 = arith.constant 16 : i32
      %parallel_loop3A_68 = arith.muli %parallel_loop3A_66, %parallel_loop3A_67 : i32
      %parallel_loop3A_69 = arith.index_cast %parallel_loop3A_68 : i32 to index
      %parallel_loop3A_70 = tpu.vector_load %arg6[%parallel_loop3A_69] {strides = array<i32>} : memref<50000xf32, #tpu.memory_space<vmem>>, vector<16xf32>,
      tpu.vector_store %arg6[%parallel_loop3A_69], %broadcast_in_dim3A_34 {strides = array<i32>} : memref<50000xf32, #tpu.memory_space<vmem>>, vector<16xf32>,
    } {sc.loop_unroll_factor = 8 : i64, sc.parallel_access}
    %dma_wait3A = tpu.memref_slice %arg2[%mul3A_32] : memref<200000xf32, #tpu.memory_space<hbm>> -> memref<50000xf32, #tpu.memory_space<hbm>>
    %dma_wait3A_37 = tpu.memref_slice %arg2[%mul3A_32] : memref<200000xf32, #tpu.memory_space<hbm>> -> memref<50000xf32, #tpu.memory_space<hbm>>
    tpu.wait_dma2 semaphore(%arg11 : memref<!tpu.dma_semaphore, #tpu.memory_space<semaphore_mem>>) src(%dma_wait3A_37 : memref<50000xf32, #tpu.memory_space<hbm>>) dst(%arg5 : memref<50000xf32, #tpu.memory_space<vmem>>)
    %mul3A_38 = arith.constant 50 : i32
    %mul3A_39 = arith.muli %select_n3A_30, %mul3A_38 : i32
    %add3A_40 = arith.constant 0 : i32
    %add3A_41 = arith.addi %mul3A_39, %add3A_40 : i32
    %mul3A_42 = arith.constant 2 : i32
    %mul3A_43 = arith.muli %add3A_41, %mul3A_42 : i32
    %mul3A_44 = arith.constant 4096 : i32
    %mul3A_45 = arith.muli %mul3A_43, %mul3A_44 : i32
    %dma_start3A_46 = tpu.memref_slice %arg3[%mul3A_45] : memref<3276800xi32, #tpu.memory_space<hbm>> -> memref<8192xi32, #tpu.memory_space<hbm>>
    %dma_start3A_47 = tpu.memref_slice %arg3[%mul3A_45] : memref<3276800xi32, #tpu.memory_space<hbm>> -> memref<8192xi32, #tpu.memory_space<hbm>>
    tpu.enqueue_dma source(%dma_start3A_47 : memref<8192xi32, #tpu.memory_space<hbm>>) target(%arg7 : memref<8192xi32, #tpu.memory_space<vmem>>) target_semaphore(%arg9 : memref<!tpu.dma_semaphore, #tpu.memory_space<semaphore_mem>>)
    %add3A_48 = arith.constant 1 : i32
    %add3A_49 = arith.addi %mul3A_39, %add3A_48 : i32
    %mul3A_50 = arith.constant 2 : i32
    %mul3A_51 = arith.muli %add3A_49, %mul3A_50 : i32
    %mul3A_52 = arith.constant 4096 : i32
    %mul3A_53 = arith.muli %mul3A_51, %mul3A_52 : i32
    %dma_start3A_54 = tpu.memref_slice %arg3[%mul3A_53] : memref<3276800xi32, #tpu.memory_space<hbm>> -> memref<8192xi32, #tpu.memory_space<hbm>>
    %dma_start3A_55 = tpu.memref_slice %arg3[%mul3A_53] : memref<3276800xi32, #tpu.memory_space<hbm>> -> memref<8192xi32, #tpu.memory_space<hbm>>
    tpu.enqueue_dma source(%dma_start3A_55 : memref<8192xi32, #tpu.memory_space<hbm>>) target(%arg8 : memref<8192xi32, #tpu.memory_space<vmem>>) target_semaphore(%arg10 : memref<!tpu.dma_semaphore, #tpu.memory_space<semaphore_mem>>)
    %scan3A = arith.constant 0 : i32
    %scan3A_56 = arith.constant 0 : i32
    %scan3A_57 = arith.constant 25 : i32
    %scan3A_58 = arith.addi %scan3A_56, %scan3A_57 : i32
    %scan3A_59 = arith.constant 1 : i32
    scf.for %scan3A_66 = %scan3A_56 to %scan3A_58 step %scan3A_59  : i32 {
      %mul3A_67 = arith.constant 2 : i32
      %mul3A_68 = arith.muli %scan3A_66, %mul3A_67 : i32
      %add3A_69 = arith.constant 0 : i32
      %add3A_70 = arith.addi %mul3A_68, %add3A_69 : i32
      %add3A_71 = arith.addi %mul3A_39, %add3A_70 : i32
      %mul3A_72 = arith.constant 2 : i32
      %mul3A_73 = arith.muli %add3A_71, %mul3A_72 : i32
      %mul3A_74 = arith.constant 4096 : i32
      %mul3A_75 = arith.muli %mul3A_73, %mul3A_74 : i32
      %dma_wait3A_76 = tpu.memref_slice %arg3[%mul3A_75] : memref<3276800xi32, #tpu.memory_space<hbm>> -> memref<8192xi32, #tpu.memory_space<hbm>>
      %dma_wait3A_77 = tpu.memref_slice %arg3[%mul3A_75] : memref<3276800xi32, #tpu.memory_space<hbm>> -> memref<8192xi32, #tpu.memory_space<hbm>>
      tpu.wait_dma2 semaphore(%arg9 : memref<!tpu.dma_semaphore, #tpu.memory_space<semaphore_mem>>) src(%dma_wait3A_77 : memref<8192xi32, #tpu.memory_space<hbm>>) dst(%arg7 : memref<8192xi32, #tpu.memory_space<vmem>>)
      %parallel_loop3A_78 = arith.constant 0 : i32
      %parallel_loop3A_79 = arith.constant 256 : i32
      %parallel_loop3A_80 = arith.constant 1 : i32
      scf.for %parallel_loop3A_107 = %parallel_loop3A_78 to %parallel_loop3A_79 step %parallel_loop3A_80  : i32 {
        %parallel_loop3A_108 = arith.constant 16 : i32
        %parallel_loop3A_109 = arith.muli %parallel_loop3A_107, %parallel_loop3A_108 : i32
        %parallel_loop3A_110 = arith.index_cast %parallel_loop3A_109 : i32 to index
        %parallel_loop3A_111 = tpu.vector_load %arg7[%parallel_loop3A_110] {strides = array<i32>} : memref<8192xi32, #tpu.memory_space<vmem>>, vector<16xi32>,
        %parallel_loop3A_112 = arith.constant 16 : i32
        %parallel_loop3A_113 = arith.muli %parallel_loop3A_107, %parallel_loop3A_112 : i32
        %parallel_loop3A_114 = arith.constant 4096 : i32
        %parallel_loop3A_115 = arith.addi %parallel_loop3A_114, %parallel_loop3A_113 : i32
        %parallel_loop3A_116 = arith.index_cast %parallel_loop3A_115 : i32 to index
        %parallel_loop3A_117 = tpu.vector_load %arg7[%parallel_loop3A_116] {strides = array<i32>} : memref<8192xi32, #tpu.memory_space<vmem>>, vector<16xi32>,
        %parallel_loop3A_118 = vector.bitcast %parallel_loop3A_117 : vector<16xi32> to vector<16xf32>
        %parallel_loop3A_119 = arith.constant 16 : i32
        %parallel_loop3A_120 = vector.broadcast %parallel_loop3A_119 : i32 to vector<16xi32>
        %parallel_loop3A_121 = arith.shrui %parallel_loop3A_111, %parallel_loop3A_120 : vector<16xi32>
        %parallel_loop3A_122 = arith.constant 65535 : i32
        %parallel_loop3A_123 = vector.broadcast %parallel_loop3A_122 : i32 to vector<16xi32>
        %parallel_loop3A_124 = arith.andi %parallel_loop3A_111, %parallel_loop3A_123 : vector<16xi32>
        %parallel_loop3A_125 = tpu.vector_load_idx %arg5[%parallel_loop3A_121] : memref<50000xf32, #tpu.memory_space<vmem>>[vector<16xi32>], vector<16xf32>,
        %parallel_loop3A_126 = arith.mulf %parallel_loop3A_125, %parallel_loop3A_118 : vector<16xf32>
        %parallel_loop3A_127 = arith.constant 0.000000e+00 : f32
        %parallel_loop3A_128 = vector.broadcast %parallel_loop3A_127 : f32 to vector<16xf32>
        %parallel_loop3A_129 = arith.cmpf ogt, %parallel_loop3A_125, %parallel_loop3A_128 : vector<16xf32>
        tpu.vector_store_idx %arg6[%parallel_loop3A_124], %parallel_loop3A_126 masked %parallel_loop3A_129 {add = true} : memref<50000xf32, #tpu.memory_space<vmem>>[vector<16xi32>], vector<16xf32>, vector<16xi1>
      } {sc.loop_unroll_factor = 16 : i64, sc.parallel_access}
      %add3A_81 = arith.constant 2 : i32
      %add3A_82 = arith.addi %add3A_70, %add3A_81 : i32
      %lt3A_83 = arith.constant 50 : i32
      %lt3A_84 = arith.cmpi slt, %add3A_82, %lt3A_83 : i32
      %convert_element_type3A = arith.extui %lt3A_84 : i1 to i32
      %cond3A = arith.constant 0 : i32
      %cond3A_85 = arith.cmpi ne, %convert_element_type3A, %cond3A : i32
      scf.if %cond3A_85 {
        %add3A_107 = arith.constant 2 : i32
        %add3A_108 = arith.addi %add3A_70, %add3A_107 : i32
        %add3A_109 = arith.addi %mul3A_39, %add3A_108 : i32
        %mul3A_110 = arith.constant 2 : i32
        %mul3A_111 = arith.muli %add3A_109, %mul3A_110 : i32
        %mul3A_112 = arith.constant 4096 : i32
        %mul3A_113 = arith.muli %mul3A_111, %mul3A_112 : i32
        %dma_start3A_114 = tpu.memref_slice %arg3[%mul3A_113] : memref<3276800xi32, #tpu.memory_space<hbm>> -> memref<8192xi32, #tpu.memory_space<hbm>>
        %dma_start3A_115 = tpu.memref_slice %arg3[%mul3A_113] : memref<3276800xi32, #tpu.memory_space<hbm>> -> memref<8192xi32, #tpu.memory_space<hbm>>
        tpu.enqueue_dma source(%dma_start3A_115 : memref<8192xi32, #tpu.memory_space<hbm>>) target(%arg7 : memref<8192xi32, #tpu.memory_space<vmem>>) target_semaphore(%arg9 : memref<!tpu.dma_semaphore, #tpu.memory_space<semaphore_mem>>)
      } else {
      }
      %mul3A_86 = arith.constant 2 : i32
      %mul3A_87 = arith.muli %scan3A_66, %mul3A_86 : i32
      %add3A_88 = arith.constant 1 : i32
      %add3A_89 = arith.addi %mul3A_87, %add3A_88 : i32
      %add3A_90 = arith.addi %mul3A_39, %add3A_89 : i32
      %mul3A_91 = arith.constant 2 : i32
      %mul3A_92 = arith.muli %add3A_90, %mul3A_91 : i32
      %mul3A_93 = arith.constant 4096 : i32
      %mul3A_94 = arith.muli %mul3A_92, %mul3A_93 : i32
      %dma_wait3A_95 = tpu.memref_slice %arg3[%mul3A_94] : memref<3276800xi32, #tpu.memory_space<hbm>> -> memref<8192xi32, #tpu.memory_space<hbm>>
      %dma_wait3A_96 = tpu.memref_slice %arg3[%mul3A_94] : memref<3276800xi32, #tpu.memory_space<hbm>> -> memref<8192xi32, #tpu.memory_space<hbm>>
      tpu.wait_dma2 semaphore(%arg10 : memref<!tpu.dma_semaphore, #tpu.memory_space<semaphore_mem>>) src(%dma_wait3A_96 : memref<8192xi32, #tpu.memory_space<hbm>>) dst(%arg8 : memref<8192xi32, #tpu.memory_space<vmem>>)
      %parallel_loop3A_97 = arith.constant 0 : i32
      %parallel_loop3A_98 = arith.constant 256 : i32
      %parallel_loop3A_99 = arith.constant 1 : i32
      scf.for %parallel_loop3A_107 = %parallel_loop3A_97 to %parallel_loop3A_98 step %parallel_loop3A_99  : i32 {
        %parallel_loop3A_108 = arith.constant 16 : i32
        %parallel_loop3A_109 = arith.muli %parallel_loop3A_107, %parallel_loop3A_108 : i32
        %parallel_loop3A_110 = arith.index_cast %parallel_loop3A_109 : i32 to index
        %parallel_loop3A_111 = tpu.vector_load %arg8[%parallel_loop3A_110] {strides = array<i32>} : memref<8192xi32, #tpu.memory_space<vmem>>, vector<16xi32>,
        %parallel_loop3A_112 = arith.constant 16 : i32
        %parallel_loop3A_113 = arith.muli %parallel_loop3A_107, %parallel_loop3A_112 : i32
        %parallel_loop3A_114 = arith.constant 4096 : i32
        %parallel_loop3A_115 = arith.addi %parallel_loop3A_114, %parallel_loop3A_113 : i32
        %parallel_loop3A_116 = arith.index_cast %parallel_loop3A_115 : i32 to index
        %parallel_loop3A_117 = tpu.vector_load %arg8[%parallel_loop3A_116] {strides = array<i32>} : memref<8192xi32, #tpu.memory_space<vmem>>, vector<16xi32>,
        %parallel_loop3A_118 = vector.bitcast %parallel_loop3A_117 : vector<16xi32> to vector<16xf32>
        %parallel_loop3A_119 = arith.constant 16 : i32
        %parallel_loop3A_120 = vector.broadcast %parallel_loop3A_119 : i32 to vector<16xi32>
        %parallel_loop3A_121 = arith.shrui %parallel_loop3A_111, %parallel_loop3A_120 : vector<16xi32>
        %parallel_loop3A_122 = arith.constant 65535 : i32
        %parallel_loop3A_123 = vector.broadcast %parallel_loop3A_122 : i32 to vector<16xi32>
        %parallel_loop3A_124 = arith.andi %parallel_loop3A_111, %parallel_loop3A_123 : vector<16xi32>
        %parallel_loop3A_125 = tpu.vector_load_idx %arg5[%parallel_loop3A_121] : memref<50000xf32, #tpu.memory_space<vmem>>[vector<16xi32>], vector<16xf32>,
        %parallel_loop3A_126 = arith.mulf %parallel_loop3A_125, %parallel_loop3A_118 : vector<16xf32>
        %parallel_loop3A_127 = arith.constant 0.000000e+00 : f32
        %parallel_loop3A_128 = vector.broadcast %parallel_loop3A_127 : f32 to vector<16xf32>
        %parallel_loop3A_129 = arith.cmpf ogt, %parallel_loop3A_125, %parallel_loop3A_128 : vector<16xf32>
        tpu.vector_store_idx %arg6[%parallel_loop3A_124], %parallel_loop3A_126 masked %parallel_loop3A_129 {add = true} : memref<50000xf32, #tpu.memory_space<vmem>>[vector<16xi32>], vector<16xf32>, vector<16xi1>
      } {sc.loop_unroll_factor = 16 : i64, sc.parallel_access}
      %add3A_100 = arith.constant 2 : i32
      %add3A_101 = arith.addi %add3A_89, %add3A_100 : i32
      %lt3A_102 = arith.constant 50 : i32
      %lt3A_103 = arith.cmpi slt, %add3A_101, %lt3A_102 : i32
      %convert_element_type3A_104 = arith.extui %lt3A_103 : i1 to i32
      %cond3A_105 = arith.constant 0 : i32
      %cond3A_106 = arith.cmpi ne, %convert_element_type3A_104, %cond3A_105 : i32
      scf.if %cond3A_106 {
        %add3A_107 = arith.constant 2 : i32
        %add3A_108 = arith.addi %add3A_89, %add3A_107 : i32
        %add3A_109 = arith.addi %mul3A_39, %add3A_108 : i32
        %mul3A_110 = arith.constant 2 : i32
        %mul3A_111 = arith.muli %add3A_109, %mul3A_110 : i32
        %mul3A_112 = arith.constant 4096 : i32
        %mul3A_113 = arith.muli %mul3A_111, %mul3A_112 : i32
        %dma_start3A_114 = tpu.memref_slice %arg3[%mul3A_113] : memref<3276800xi32, #tpu.memory_space<hbm>> -> memref<8192xi32, #tpu.memory_space<hbm>>
        %dma_start3A_115 = tpu.memref_slice %arg3[%mul3A_113] : memref<3276800xi32, #tpu.memory_space<hbm>> -> memref<8192xi32, #tpu.memory_space<hbm>>
        tpu.enqueue_dma source(%dma_start3A_115 : memref<8192xi32, #tpu.memory_space<hbm>>) target(%arg8 : memref<8192xi32, #tpu.memory_space<vmem>>) target_semaphore(%arg10 : memref<!tpu.dma_semaphore, #tpu.memory_space<semaphore_mem>>)
      } else {
      }
    }
    %scan3A_60 = arith.constant 25 : i32
    %mul3A_61 = arith.constant 8 : i32
    %mul3A_62 = arith.muli %select_n3A_9, %mul3A_61 : i32
    %add3A_63 = arith.addi %mul3A_62, %select_n3A_30 : i32
    %mul3A_64 = arith.constant 50048 : i32
    %mul3A_65 = arith.muli %add3A_63, %mul3A_64 : i32
    "tpu.region"() ({
      %run_scoped3A = tpu.sem_alloc : memref<!tpu.dma_semaphore, #tpu.memory_space<semaphore_mem>>
      %dma_start3A_66 = tpu.memref_slice %arg4[%mul3A_65] : memref<1601536xf32, #tpu.memory_space<hbm>> -> memref<50000xf32, #tpu.memory_space<hbm>>
      %dma_start3A_67 = tpu.memref_slice %arg4[%mul3A_65] : memref<1601536xf32, #tpu.memory_space<hbm>> -> memref<50000xf32, #tpu.memory_space<hbm>>
      tpu.enqueue_dma source(%arg6 : memref<50000xf32, #tpu.memory_space<vmem>>) target(%dma_start3A_67 : memref<50000xf32, #tpu.memory_space<hbm>>) target_semaphore(%run_scoped3A : memref<!tpu.dma_semaphore, #tpu.memory_space<semaphore_mem>>)
      %dma_wait3A_68 = tpu.memref_slice %arg4[%mul3A_65] : memref<1601536xf32, #tpu.memory_space<hbm>> -> memref<50000xf32, #tpu.memory_space<hbm>>
      %dma_wait3A_69 = tpu.memref_slice %arg4[%mul3A_65] : memref<1601536xf32, #tpu.memory_space<hbm>> -> memref<50000xf32, #tpu.memory_space<hbm>>
      tpu.wait_dma2 semaphore(%run_scoped3A : memref<!tpu.dma_semaphore, #tpu.memory_space<semaphore_mem>>) src(%arg6 : memref<50000xf32, #tpu.memory_space<vmem>>) dst(%dma_wait3A_69 : memref<50000xf32, #tpu.memory_space<hbm>>)
      tpu.yield
    }) : () -> ()
    return
  }
}

module attributes {stable_mosaic.version = 14 : i64} {
  func.func @_pack_body(%arg0: i32, %arg1: memref<2x4096xi32, #tpu.memory_space<vmem>>, %arg2: memref<4096xf32, #tpu.memory_space<vmem>>, %arg3: memref<8192xi32, #tpu.memory_space<vmem>>) attributes {dimension_semantics = [#tpu.dimension_semantics<arbitrary>], iteration_bounds = array<i64: 400>, scalar_prefetch = 0 : i64, scratch_operands = 0 : i64, tpu.core_type = #tpu.core_type<tc>, window_params = [{transform_indices = @transform_0, window_bounds = array<i64: 2, 4096>}, {transform_indices = @transform_1, window_bounds = array<i64: 4096>}, {transform_indices = @transform_2, window_bounds = array<i64: 8192>}]} {
    %iota3A = tpu.iota {dimensions = array<i32: 1>} : vector<1x4096xi32>
    %iota3A_0 = vector.shape_cast %iota3A : vector<1x4096xi32> to vector<4096xi32>
    %mul3A = arith.constant 4096 : i32
    %mul3A_1 = arith.muli %arg0, %mul3A : i32
    %add3A = vector.broadcast %mul3A_1 : i32 to vector<4096xi32>
    %add3A_2 = arith.addi %iota3A_0, %add3A : vector<4096xi32>
    %lt3A = arith.constant 1600000 : i32
    %lt3A_3 = vector.broadcast %lt3A : i32 to vector<4096xi32>
    %lt3A_4 = arith.cmpi slt, %add3A_2, %lt3A_3 : vector<4096xi32>
    %get3A = arith.constant 1 : index
    %get3A_5 = arith.constant 0 : index
    %get3A_6 = vector.load %arg1[%get3A, %get3A_5] : memref<2x4096xi32, #tpu.memory_space<vmem>>, vector<1x4096xi32>
    %get3A_7 = vector.shape_cast %get3A_6 : vector<1x4096xi32> to vector<4096xi32>
    %shift_left3A = arith.constant 16 : i32
    %shift_left3A_8 = vector.broadcast %shift_left3A : i32 to vector<4096xi32>
    %shift_left3A_9 = arith.shli %get3A_7, %shift_left3A_8 : vector<4096xi32>
    %get3A_10 = arith.constant 0 : index
    %get3A_11 = arith.constant 0 : index
    %get3A_12 = vector.load %arg1[%get3A_10, %get3A_11] : memref<2x4096xi32, #tpu.memory_space<vmem>>, vector<1x4096xi32>
    %get3A_13 = vector.shape_cast %get3A_12 : vector<1x4096xi32> to vector<4096xi32>
    %or3A = arith.ori %shift_left3A_9, %get3A_13 : vector<4096xi32>
    %get3A_14 = arith.constant 0 : index
    %get3A_15 = vector.load %arg2[%get3A_14] : memref<4096xf32, #tpu.memory_space<vmem>>, vector<4096xf32>
    %bitcast_convert_type3A = tpu.bitcast %get3A_15 : vector<4096xf32> -> vector<4096xi32>
    %jit3A = arith.constant 0 : i32
    %broadcast_in_dim3A = vector.broadcast %jit3A : i32 to vector<4096xi32>
    %select_n3A = arith.select %lt3A_4, %or3A, %broadcast_in_dim3A : vector<4096xi1>, vector<4096xi32>
    %swap3A = arith.constant 0 : index
    %swap3A_16 = vector.load %arg3[%swap3A] : memref<8192xi32, #tpu.memory_space<vmem>>, vector<4096xi32>
    tpu.vector_store %arg3[%swap3A], %select_n3A {strides = array<i32>} : memref<8192xi32, #tpu.memory_space<vmem>>, vector<4096xi32>,
    %jit3A_17 = arith.constant 0 : i32
    %broadcast_in_dim3A_18 = vector.broadcast %jit3A_17 : i32 to vector<4096xi32>
    %select_n3A_19 = arith.select %lt3A_4, %bitcast_convert_type3A, %broadcast_in_dim3A_18 : vector<4096xi1>, vector<4096xi32>
    %swap3A_20 = arith.constant 4096 : index
    %swap3A_21 = vector.load %arg3[%swap3A_20] : memref<8192xi32, #tpu.memory_space<vmem>>, vector<4096xi32>
    tpu.vector_store %arg3[%swap3A_20], %select_n3A_19 {strides = array<i32>} : memref<8192xi32, #tpu.memory_space<vmem>>, vector<4096xi32>,
    return
  }
  func.func @transform_0(%arg0: i32) -> (i32, i32) {
    %min3A = arith.constant 390 : i32
    %min3A_0 = arith.minsi %arg0, %min3A : i32
    %c0_i32 = arith.constant 0 : i32
    %c0_i32_1 = arith.constant 0 : i32
    return %c0_i32, %min3A_0 : i32, i32
  }
  func.func @transform_1(%arg0: i32) -> i32 {
    %min3A = arith.constant 390 : i32
    %min3A_0 = arith.minsi %arg0, %min3A : i32
    %c0_i32 = arith.constant 0 : i32
    return %min3A_0 : i32
  }
  func.func @transform_2(%arg0: i32) -> i32 {
    %c0_i32 = arith.constant 0 : i32
    return %arg0 : i32
  }
}

module attributes {stable_mosaic.version = 14 : i64} {
  func.func @_lif_body(%arg0: memref<4x8x50048xf32, #tpu.memory_space<vmem>>, %arg1: memref<4x50000xf32, #tpu.memory_space<vmem>>, %arg2: memref<1x50000xf32, #tpu.memory_space<vmem>>, %arg3: memref<1x50000xf32, #tpu.memory_space<vmem>>, %arg4: memref<1x50000xf32, #tpu.memory_space<vmem>>, %arg5: memref<1x50000xf32, #tpu.memory_space<vmem>>, %arg6: memref<2x4x50000xf32, #tpu.memory_space<vmem>>) attributes {dimension_semantics = [], scalar_prefetch = 0 : i64, scratch_operands = 0 : i64, tpu.core_type = #tpu.core_type<tc>} {
    %get3A = arith.constant 0 : index
    %get3A_0 = arith.constant 0 : index
    %get3A_1 = arith.constant 0 : index
    %get3A_2 = vector.load %arg0[%get3A, %get3A_0, %get3A_1] : memref<4x8x50048xf32, #tpu.memory_space<vmem>>, vector<4x8x50048xf32>
    %reduce_sum3A = arith.constant dense<0.000000e+00> : vector<4x50048xf32>
    %reduce_sum3A_3 = vector.multi_reduction <add>, %get3A_2, %reduce_sum3A [1] : vector<4x8x50048xf32> to vector<4x50048xf32>
    %slice3A = vector.extract_strided_slice %reduce_sum3A_3 {offsets = [0, 0], sizes = [4, 50000], strides = [1, 1]} : vector<4x50048xf32> to vector<4x50000xf32>
    %get3A_4 = arith.constant 0 : index
    %get3A_5 = arith.constant 0 : index
    %get3A_6 = vector.load %arg1[%get3A_4, %get3A_5] : memref<4x50000xf32, #tpu.memory_space<vmem>>, vector<4x50000xf32>
    %get3A_7 = arith.constant 0 : index
    %get3A_8 = arith.constant 0 : index
    %get3A_9 = vector.load %arg2[%get3A_7, %get3A_8] : memref<1x50000xf32, #tpu.memory_space<vmem>>, vector<1x50000xf32>
    %get3A_10 = arith.constant 0 : index
    %get3A_11 = arith.constant 0 : index
    %get3A_12 = vector.load %arg3[%get3A_10, %get3A_11] : memref<1x50000xf32, #tpu.memory_space<vmem>>, vector<1x50000xf32>
    %get3A_13 = arith.constant 0 : index
    %get3A_14 = arith.constant 0 : index
    %get3A_15 = vector.load %arg4[%get3A_13, %get3A_14] : memref<1x50000xf32, #tpu.memory_space<vmem>>, vector<1x50000xf32>
    %get3A_16 = arith.constant 0 : index
    %get3A_17 = arith.constant 0 : index
    %get3A_18 = vector.load %arg5[%get3A_16, %get3A_17] : memref<1x50000xf32, #tpu.memory_space<vmem>>, vector<1x50000xf32>
    %mul3A = vector.broadcast %get3A_9 : vector<1x50000xf32> to vector<4x50000xf32>
    %mul3A_19 = arith.mulf %mul3A, %get3A_6 : vector<4x50000xf32>
    %mul3A_20 = vector.broadcast %get3A_12 : vector<1x50000xf32> to vector<4x50000xf32>
    %mul3A_21 = arith.mulf %mul3A_20, %slice3A : vector<4x50000xf32>
    %add3A = arith.addf %mul3A_19, %mul3A_21 : vector<4x50000xf32>
    %sub3A = vector.broadcast %get3A_15 : vector<1x50000xf32> to vector<4x50000xf32>
    %sub3A_22 = arith.subf %add3A, %sub3A : vector<4x50000xf32>
    %sub3A_23 = arith.subf %get3A_15, %get3A_18 : vector<1x50000xf32>
    %max3A = arith.constant 9.99999997E-7 : f32
    %max3A_24 = vector.broadcast %max3A : f32 to vector<1x50000xf32>
    %max3A_25 = arith.maximumf %sub3A_23, %max3A_24 : vector<1x50000xf32>
    %div3A = vector.broadcast %max3A_25 : vector<1x50000xf32> to vector<4x50000xf32>
    %div3A_26 = arith.divf %sub3A_22, %div3A : vector<4x50000xf32>
    %gt3A = arith.constant 0.000000e+00 : f32
    %gt3A_27 = vector.broadcast %gt3A : f32 to vector<4x50000xf32>
    %gt3A_28 = arith.cmpf ogt, %div3A_26, %gt3A_27 : vector<4x50000xf32>
    %convert_element_type3A = arith.extui %gt3A_28 : vector<4x50000xi1> to vector<4x50000xi32>
    %convert_element_type3A_29 = arith.sitofp %convert_element_type3A : vector<4x50000xi32> to vector<4x50000xf32>
    %swap3A = arith.constant 0 : index
    %swap3A_30 = arith.constant 0 : index
    %swap3A_31 = arith.constant 0 : index
    %swap3A_32 = vector.load %arg6[%swap3A, %swap3A_30, %swap3A_31] : memref<2x4x50000xf32, #tpu.memory_space<vmem>>, vector<1x4x50000xf32>
    %swap3A_33 = vector.shape_cast %swap3A_32 : vector<1x4x50000xf32> to vector<4x50000xf32>
    %swap3A_34 = vector.shape_cast %convert_element_type3A_29 : vector<4x50000xf32> to vector<1x4x50000xf32>
    tpu.vector_store %arg6[%swap3A, %swap3A_30, %swap3A_31], %swap3A_34 {strides = array<i32>} : memref<2x4x50000xf32, #tpu.memory_space<vmem>>, vector<1x4x50000xf32>,
    %sub3A_35 = arith.subf %get3A_15, %get3A_18 : vector<1x50000xf32>
    %mul3A_36 = vector.broadcast %sub3A_35 : vector<1x50000xf32> to vector<4x50000xf32>
    %mul3A_37 = arith.mulf %convert_element_type3A_29, %mul3A_36 : vector<4x50000xf32>
    %sub3A_38 = arith.subf %add3A, %mul3A_37 : vector<4x50000xf32>
    %swap3A_39 = arith.constant 1 : index
    %swap3A_40 = arith.constant 0 : index
    %swap3A_41 = arith.constant 0 : index
    %swap3A_42 = vector.load %arg6[%swap3A_39, %swap3A_40, %swap3A_41] : memref<2x4x50000xf32, #tpu.memory_space<vmem>>, vector<1x4x50000xf32>
    %swap3A_43 = vector.shape_cast %swap3A_42 : vector<1x4x50000xf32> to vector<4x50000xf32>
    %swap3A_44 = vector.shape_cast %sub3A_38 : vector<4x50000xf32> to vector<1x4x50000xf32>
    tpu.vector_store %arg6[%swap3A_39, %swap3A_40, %swap3A_41], %swap3A_44 {strides = array<i32>} : memref<2x4x50000xf32, #tpu.memory_space<vmem>>, vector<1x4x50000xf32>,
    return
  }
}

</mosaic_0001>

<sc_bundles>
// kernel: kernel.5.cloned.1.call-start
scs
__scs_entry_jumppad:
0x0: {  	(pc) =	sbr.rel $0x88, $3  }
0x1: {  	(tag) =	ssettag $0x0;
	lr =	simm.s32 $0x1  }
0x2: {  	[smem:$0x3F99] =	sst lr;
	_ =	strace $0xD0000000  }
0x3: {  	_ = 	snop  }
0x4: {  	_ = 	snop  }
0x5: {  	_ = 	snop  }
0x6: {  	_ = 	snop  }
0x7: {  	_ = 	snop  }
__scs_overlays_trampoline_lowered:
0x8: {  	[smem:$0x3FA8] =	sst s0  }
0x9: {  	[smem:$0x3FA9] =	sst s1  }
0xa: {  	[smem:$0x3FAA] =	sst s2  }
0xb: {  	[smem:$0x3FAB] =	sst s3  }
0xc: {  	[smem:$0x3FAC] =	sst s4  }
0xd: {  	[smem:$0x3FAD] =	sst s5  }
0xe: {  	[smem:$0x3FAE] =	sst s6  }
0xf: {  	[smem:$0x3FAF] =	sst s7  }
0x10: {  	[smem:$0x3FB0] =	sst s8  }
0x11: {  	[smem:$0x3FB1] =	sst s9;
	s0 =	simm.s32 @!p0 $0x0  }
0x12: {  	s1 =	sld [smem:$0x3F97];
	s0 =	simm.s32 @p0 $0x1  }
0x13: {  	[smem:$0x3FB2] =	sst s0;
	s0 =	simm.s32 @!p1 $0x0  }
0x14: {  	s2 =	sld [smem:$0x3F96];
	s0 =	simm.s32 @p1 $0x1  }
0x15: {  	[smem:$0x3FB3] =	sst s0;
	s0 =	simm.s32 @!p2 $0x0  }
0x16: {  	s3 =	sld [smem:$0x3FDB];
	s0 =	simm.s32 @p2 $0x1  }
0x17: {  	s4 =	simm.s32 $0x1BF5;
	[smem:$0x3FB5] =	sst s0  }
0x18: {  	s0 =	sld [smem:$0x3F98];
	_ =	swait.ge [sflag:s4], $0x0  }
0x19: {  	s7 =	sld [smem:$0x3F99]  }
0x1a: {  	s8 =	sadd.s32 $0xFFFFE003, lr  }
0x1b: {  	s9 =	sadd.s32 $0xFFFFFEF7, lr;
	s5 =	simm.s32 $0xFFFFFFFF;
	p2 =	slt.u32 s8, $0xFFFFF086  }
0x1c: {  	p1 =	slt.u32 s9, $0xF7A;
	s5 =	simm.s32 @!p2 $0x0  }
0x1d: {  	s5 =	simm.s32 @p1 $0x1;
	p0 =	seq.s32 s7, s2  }
0x1e: {  	s7 =	smul.u32 @!p0 $0xF7A, s2;
	p2 =	seq.s32 @!p0 s5, $0x0  }
0x1f: {  	s9 =	smul.u32 $0xF7A, s1;
	s8 =	simm.s32 @!p0 $0x1BF5;
	p2 =	por !p2, p0  }
0x20: {  	[sflag:s8] =	ssyncset.s32 @!p0 $0xFFFFF086;
	s6 =	sadd.s32 @!p0 s3, s7;
	s7 =	simm.s32 @!p0 $0x108  }
0x21: {  	s3 =	sadd.s32 s3, s9;
	s6 =	sadd.s32 @!p0 $0x88, s6;
	s7 =	simm.s32 @p2 $0x1082  }
0x22: {  	[simem:s7], [sflag:s8] =	dma.local @!p0 [hbm:s6], $0xF7A  }
0x23: {  	s9 =	sor.u32 $0xD0000000, s2;
	s6 =	simm.s32 $0x108;
	_ =	swait.ge @!p0 [sflag:s8], $0x0  }
0x24: {  	s3 =	sadd.s32 $0x88, s3;
	s6 =	simm.s32 @!p1 $0x1082;
	[sflag:s4] =	ssyncset.s32 $0xFFFFF086  }
0x25: {  	[simem:s6], [sflag:s4] =	dma.local [hbm:s3], $0xF7A  }
0x26: {  	[smem:$0x3F99] =	sst s1;
	(tag) =	ssettag s2;
	_ =	strace s9  }
0x27: {  	s1 =	sld [smem:$0x3FA9]  }
0x28: {  	s2 =	sld [smem:$0x3FAA]  }
0x29: {  	s4 =	sld [smem:$0x3FAC]  }
0x2a: {  	p0 =	seq.s32 s5, $0x0;
	s5 =	sld [smem:$0x3FAD]  }
0x2b: {  	s6 =	sld [smem:$0x3FAE]  }
0x2c: {  	s7 =	sld [smem:$0x3FAF]  }
0x2d: {  	s3 =	simm.s32 $0x108;
	s8 =	sld [smem:$0x3FB0]  }
0x2e: {  	s3 =	simm.s32 @!p0 $0x1082;
	s9 =	sld [smem:$0x3FB1]  }
0x2f: {  	lr =	sadd.s32 s0, s3;
	s0 =	sld [smem:$0x3FA8]  }
0x30: {  	s3 =	sld [smem:$0x3FAB]  }
0x31: {  	[smem:$0x3FB4] =	sst s10  }
0x32: {  	s10 =	sld [smem:$0x3FB2];
	_ =	sdelay $0x3  }
0x33: {  	p0 =	seq.s32 s10, $0x1;
	s10 =	sld [smem:$0x3FB4];
	_ =	sdelay $0x3  }
0x34: {  	[smem:$0x3FB4] =	sst s10  }
0x35: {  	s10 =	sld [smem:$0x3FB3];
	_ =	sdelay $0x3  }
0x36: {  	p1 =	seq.s32 s10, $0x1;
	s10 =	sld [smem:$0x3FB4];
	_ =	sdelay $0x3  }
0x37: {  	[smem:$0x3FB4] =	sst s10  }
0x38: {  	s10 =	sld [smem:$0x3FB5]  }
0x39: {  	_ = 	snop;
	(pc) =	sbr.ind lr, $3  }
0x3a: {  	_ = 	snop  }
0x3b: {  	_ = 	snop  }
0x3c: {  	p2 =	seq.s32 s10, $0x1;
	s10 =	sld [smem:$0x3FB4]  }
0x3d: {  	_ =	shalt  }
0x3e: {  	_ =	shalt  }
0x3f: {  	_ =	shalt  }
0x40: {  	_ =	shalt  }
0x41: {  	_ =	shalt  }
0x42: {  	_ =	shalt  }
0x43: {  	_ =	shalt  }
0x44: {  	_ =	shalt  }
0x45: {  	_ =	shalt  }
0x46: {  	_ =	shalt  }
0x47: {  	_ =	shalt  }
0x48: {  	_ =	shalt  }
0x49: {  	_ =	shalt  }
0x4a: {  	_ =	shalt  }
0x4b: {  	_ =	shalt  }
0x4c: {  	_ =	shalt  }
0x4d: {  	_ =	shalt  }
0x4e: {  	_ =	shalt  }
0x4f: {  	_ =	shalt  }
0x50: {  	_ =	shalt  }
0x51: {  	_ =	shalt  }
0x52: {  	_ =	shalt  }
0x53: {  	_ =	shalt  }
0x54: {  	_ =	shalt  }
0x55: {  	_ =	shalt  }
0x56: {  	_ =	shalt  }
0x57: {  	_ =	shalt  }
0x58: {  	_ =	shalt  }
0x59: {  	_ =	shalt  }
0x5a: {  	_ =	shalt  }
0x5b: {  	_ =	shalt  }
0x5c: {  	_ =	shalt  }
0x5d: {  	_ =	shalt  }
0x5e: {  	_ =	shalt  }
0x5f: {  	_ =	shalt  }
0x60: {  	_ =	shalt  }
0x61: {  	_ =	shalt  }
0x62: {  	_ =	shalt  }
0x63: {  	_ =	shalt  }
0x64: {  	_ =	shalt  }
0x65: {  	_ =	shalt  }
0x66: {  	_ =	shalt  }
0x67: {  	_ =	shalt  }
0x68: {  	_ =	shalt  }
0x69: {  	_ =	shalt  }
0x6a: {  	_ =	shalt  }
0x6b: {  	_ =	shalt  }
0x6c: {  	_ =	shalt  }
0x6d: {  	_ =	shalt  }
0x6e: {  	_ =	shalt  }
0x6f: {  	_ =	shalt  }
0x70: {  	_ =	shalt  }
0x71: {  	_ =	shalt  }
0x72: {  	_ =	shalt  }
0x73: {  	_ =	shalt  }
0x74: {  	_ =	shalt  }
0x75: {  	_ =	shalt  }
0x76: {  	_ =	shalt  }
0x77: {  	_ =	shalt  }
0x78: {  	_ =	shalt  }
0x79: {  	_ =	shalt  }
0x7a: {  	_ =	shalt  }
0x7b: {  	_ =	shalt  }
0x7c: {  	_ =	shalt  }
0x7d: {  	_ =	shalt  }
0x7e: {  	_ =	shalt  }
0x7f: {  	_ =	shalt  }
0x80: {  	_ =	shalt  }
0x81: {  	_ =	shalt  }
0x82: {  	_ =	shalt  }
0x83: {  	_ =	shalt  }
0x84: {  	_ =	shalt  }
0x85: {  	_ =	shalt  }
0x86: {  	_ =	shalt  }
0x87: {  	_ =	shalt  }
.Lfunc_end0:
.L_simem_size_0:
called_computation_lowered:
.L_overlay_start_0:
0x88: {  	s2 =	sld [smem:$0x3FD9]  }
0x89: {  	s3 =	sld [smem:$0x3FFE];
	_ =	sdelay $0x1  }
0x8a: {  	s1 =	srdreg.scid  }
0x8b: {  	s0 =	sand.u32 $0x1, s1  }
0x8c: {  	s17 =	sshll.u32 s0, $0xA;
	s2 =	sadd.s32 s3, s2  }
0x8d: {  	s2 =	sadd.s32 s2, s17  }
0x8e: {  	[smem:$0x3FC0] =	sst s2  }
0x8f: {  	_ = 	snop  }
0x90: {  	s2 =	sld [smem:$0x3FD0];
	(tm) =	ssettm $0x1  }
0x91: {  	s18 =	sld [smem:$0x3FFB];
	_ =	sdelay $0x3  }
0x92: {  	_ =	strace s18  }
0x93: {  	s3 =	sld [smem:$0x3FFC];
	_ =	sdelay $0x3  }
0x94: {  	_ =	strace s3  }
0x95: {  	s3 =	sld [smem:$0x3FFD];
	_ =	sdelay $0x3  }
0x96: {  	_ =	strace s3  }
0x97: {  	_ =	strace $0x8FFFFFFF  }
0x98: {  	s19 =	sld [smem:$0x3FDB];
	_ =	sdelay $0x1  }
0x99: {  	s4 =	simm.s32 $_scs_section_size  }
0x9a: {  	s5 =	simm.s32 $_size__tile_overlayer_lowered;
	s6 =	simm.s32 $_tile_overlayer_lowered  }
0x9b: {  	s22 =	simm.s32 $0x1BFF;
	s21 =	sshll.u32 s6, $0x1;
	s3 =	sadd.s32 s4, s19  }
0x9c: {  	s7 =	simm.s32 $0x0;
	s20 =	sshll.u32 s5, $0x1;
	s5 =	sadd.s32 s21, s3  }
0x9d: {  	[timem:s7], [sflag:s22] =	dma.local [hbm:s5], s20  }
0x9e: {  	_ =	swait.ge [sflag:s22], s20  }
0x9f: {  	s4 =	ssub.s32 $0x0, s20;
	[sflag:s22] =	ssyncset.done $0x0  }
0xa0: {  	[sflag:s22] =	ssyncadd.s32 s4;
	_ =	sdelay $0x1  }
0xa1: {  	s23 =	simm.s32 $0x1B8B  }
0xa2: {  	_ =	swait.ge [sflag:s23], $0x1  }
0xa3: {  	[sflag:s23] =	ssyncset.done $0x0  }
0xa4: {  	s25 =	simm.s32 $0x1B8E;
	s24 =	sld [smem:$0x3FFE];
	[sflag:s23] =	ssyncadd.s32 $0xFFFFFFFF  }
0xa5: {  	s26 =	simm.s32 $execute0_lowered;
	[smem:$0x3FD2] =	sst s25  }
0xa6: {  	s5 =	sshll.u32 s26, $0x1;
	_ =	strace $0x80000046;
	[dreg:$0x1] =	wrdreg $0xFFFFFFFF  }
0xa7: {  	s28 =	simm.s32 $_size_execute0_lowered;
	s3 =	sadd.s32 s3, s5;
	[dreg:$0x0] =	wrdreg $0x0  }
0xa8: {  	s5 =	sshll.u32 s28, $0x1;
	[dreg:$0x2] =	wrdreg s3  }
0xa9: {  	[dreg:$0x3] =	wrdreg s5  }
0xaa: {  	[dreg:$0x4] =	wrdreg $0xC0  }
0xab: {  	_ =	task [dreg:s7], $0x5FFFF  }
0xac: {  	[dreg:$0x1] =	wrdreg $0xFFFFFFFF  }
0xad: {  	[dreg:$0x0] =	wrdreg $0x60  }
0xae: {  	[dreg:$0x2] =	wrdreg s2  }
0xaf: {  	[dreg:$0x3] =	wrdreg s24  }
0xb0: {  	[dreg:$0x4] =	wrdreg $0x9  }
0xb1: {  	_ =	task.clear_ibuf [dreg:s7], $0x5FFFF;
	_ =	strace $0x90000046  }
0xb2: {  	s29 =	simm.s32 $0x9;
	_ =	strace $0x80000048  }
0xb3: {  	_ =	swait.ge [sflag:s29], $0x1  }
0xb4: {  	[sflag:s29] =	ssyncadd.s32 $0xFFFFFFFF  }
0xb5: {  	_ =	strace $0x90000048  }
0xb6: {  	_ =	sfence  }
0xb7: {  	s30 =	sld [smem:$0x0];
	_ =	sdelay $0x2  }
0xb8: {  	s31 =	sshll.u32 s1, $0xD;
	s1 =	sshrl.u32 s1, $0x2  }
0xb9: {  	s3 =	sand.u32 $0x4000, s31;
	s1 =	sadd.s32 s1, s30  }
0xba: {  	s0 =	sor.u32 s3, s0;
	s1 =	sshll.u32 s1, $0x11  }
0xbb: {  	s0 =	sor.u32 s1, s0  }
0xbc: {  	s0 =	sadd.s32 $0x8F2B, s0  }
0xbd: {  	[sflag:s0] =	ssyncadd.remote.s32 $0x1  }
0xbe: {  	_ =	sfence.sel $0xFFFF  }
0xbf: {  	[dreg:$0x0] =	wrdreg $0xFFFFFFFF;
	(pc) =	sbr.abs _section_cstart, $3  }
0xc0: {  	[dreg:$0x1] =	wrdreg $0xFFFFFFFF  }
0xc1: {  	_ =	task.clear_ibuf [dreg:s7], $0x2FFFF;
	_ =	strace $0x9FFFFFFF  }
0xc2: {  	(tm) =	ssettm $0x7FFFFFFF  }
0xc3: {  	_ =	shalt  }
tec
execute0_lowered:
.L_overlay_start_1:
0x0: {  	(tag) =	ssettag $0x1  }
0x1: {  	s0 =	stileid.u32;
	s5 =	rddreg [dreg:$0x0]  }
0x2: {  	s1 =	srdreg.scid;
	s7 =	rddreg [dreg:$0x1]  }
0x3: {  	s12 =	simm.s32 $0x18700;
	s13 =	simm.s32 $0x1A700;
	s14 =	simm.s32 $0x1  }
0x4: {  	s15 =	simm.s32 $0xC380;
	s16 =	simm.s32 $0x2;
	s17 =	simm.s32 $0x4  }
0x5: {  	s18 =	simm.s32 $0x0;
	s2 =	sshll.u32 s0, $0x1;
	s4 =	sand.u32 $0x1, s1  }
0x6: {  	s8 =	sshrl.u32 s0, $0x1;
	s1 =	rddreg [dreg:$0x2];
	s29 =	sand.u32 $0x2, s2  }
0x7: {  	s2 =	simm.s32 $0x0;
	s10 =	smul.u32 $0xC800, s8;
	s30 =	ssub.s32 $0x2, s4  }
0x8: {  	s6 =	sor.u32 s4, s29;
	[smem:$0x7FF] =	sst s2;
	s11 =	sshrl.u32 s30, $0x1  }
0x9: {  	s3 =	sshll.u32 s6, $0x3;
	_ =	strace $0x80000047;
	s6 =	smul.u32 $0x186A, s6  }
.Ltmp0:
0xa: {  	s31 =	ssub.s32 s30, s11;
	s3 =	sor.u32 s8, s3;
	(pc) =	sbr.rel .LBB2_1-.Ltmp0, $4  }
0xb: {  	s11 =	simm.s32 $0x3;
	s9 =	smul.u32 $0x1870, s3;
	s3 =	sadd.s32 $0x1200, s7  }
0xc: {  	s8 =	smul.u32 $0x32, s8;
	s5 =	sadd.s32 s5, s6;
	s4 =	sadd.s32 s3, s10  }
0xd: {  	s10 =	smax.u32 s31, $0x1;
	s9 =	sadd.s32 s9, s7;
	s6 =	sadd.s32 $0x400, s4  }
0xe: {  	v0 =	vimm.f32 $0.0e+00;
	s7 =	sadd.s32 $0x2, s8;
	s8 =	sadd.s32 $0x3, s8;
	s9 =	sadd.s32 $0x65200, s9  }
.LBB2_12:
0xf: {  	s18 =	sadd.s32 $0x1, s18  }
0x10: {  	p0 =	sne.s32 s18, s10  }
.Ltmp1:
0x11: {  	_ = 	snop;
	(pc) =	sbr.rel @!p0 .LBB2_13-.Ltmp1, $4  }
0x12: {  	[hbm4b:s9+s2] =	stream.linear.scatter [tilespmem:s15], [sflag:$0x4], $0xC350, $0x38;
	[tilespmem:$0x1C700] =	vst v63  }
0x13: {  	_ =	swait.ge [sflag:s17], $0xC350  }
0x14: {  	[sflag:s17] =	ssyncset.done $0x0  }
0x15: {  	[sflag:s17] =	ssyncadd.s32 $0xFFFF3CB0  }
.LBB2_1:
0x16: {  	[tilespmem:s2], [sflag:$0x3] =	stream.linear.gather [hbm4b:s5+s2], $0xC350, $0x38;
	[tilespmem:$0x1C700] =	vst v63  }
0x17: {  	s19 =	simm.s32 $0xC3C0  }
0x18: {  	[tilespmem:s19+$0xFFFFFFC0] =	vst v0  }
0x19: {  	[tilespmem:s19+$0x30] =	vst v0  }
0x1a: {  	[tilespmem:s19+$0x20] =	vst v0  }
0x1b: {  	[tilespmem:s19+$0x10] =	vst v0  }
0x1c: {  	[tilespmem:s19+$0x0] =	vst v0  }
0x1d: {  	[tilespmem:s19+$0xFFFFFFF0] =	vst v0  }
0x1e: {  	s20 =	simm.s32 $0x0;
	[tilespmem:s19+$0xFFFFFFE0] =	vst v0  }
.LBB2_2:
0x1f: {  	s20 =	sadd.s32 $0x8, s20;
	[tilespmem:s19+$0xFFFFFFD0] =	vst v0;
	s19 =	sadd.s32 $0x80, s19  }
0x20: {  	[tilespmem:s19+$0xFFFFFFC0] =	vst v0;
	p0 =	slt.u32 s20, $0xC28  }
0x21: {  	[tilespmem:s19+$0x30] =	vst v0  }
.Ltmp2:
0x22: {  	[tilespmem:s19+$0x20] =	vst v0;
	(pc) =	sbr.rel @p0 .LBB2_2-.Ltmp2, $4  }
0x23: {  	[tilespmem:s19+$0x10] =	vst v0  }
0x24: {  	[tilespmem:s19+$0x0] =	vst v0  }
0x25: {  	[tilespmem:s19+$0xFFFFFFF0] =	vst v0  }
0x26: {  	[tilespmem:s19+$0xFFFFFFE0] =	vst v0  }
0x27: {  	[tilespmem:s19+$0xFFFFFFD0] =	vst v0;
	s19 =	simm.s32 $0x0  }
.LBB2_4:
0x28: {  	p0 =	sne.s32 s19, $0x100  }
.Ltmp3:
0x29: {  	_ = 	snop;
	(pc) =	sbr.rel @p0 .LBB2_4-.Ltmp3, $3  }
0x2a: {  	_ =	sdelay $0x1  }
0x2b: {  	s20 =	sshra.s32 s19, $0x2  }
0x2c: {  	s19 =	sadd.s32 $0x40, s19;
	[tilespmem:s20+$0x18680] =	vst v0  }
0x2d: {  	_ =	swait.ge [sflag:s11], $0xC350  }
0x2e: {  	[sflag:s11] =	ssyncset.done $0x0  }
0x2f: {  	s19 =	simm.s32 $0x0;
	[sflag:s11] =	ssyncadd.s32 $0xFFFF3CB0  }
0x30: {  	[tilespmem:s12], [sflag:$0x1] =	stream.linear.gather [hbm4b:s4+s19], $0x2000, $0x38;
	[tilespmem:$0x1C700] =	vst v63  }
0x31: {  	_ = 	snop  }
0x32: {  	[tilespmem:s13], [sflag:$0x2] =	stream.linear.gather [hbm4b:s6+s19], $0x2000, $0x38;
	[tilespmem:$0x1C700] =	vst v63  }
.LBB2_6:
0x33: {  	_ =	swait.ge [sflag:s14], $0x2000  }
0x34: {  	[sflag:s14] =	ssyncset.done $0x0  }
0x35: {  	s20 =	simm.s32 $0x19700;
	[sflag:s14] =	ssyncadd.s32 $0xFFFFE000  }
0x36: {  	v1 =	vld [tilespmem:s20+$0x30]  }
0x37: {  	v2 =	vld [tilespmem:s20+$0x20]  }
0x38: {  	v3 =	vld [tilespmem:s20+$0x10]  }
0x39: {  	v4 =	vld [tilespmem:s20+$0x80]  }
0x3a: {  	v5 =	vld [tilespmem:s20+$0x70]  }
0x3b: {  	v6 =	vld [tilespmem:s20+$0x50]  }
0x3c: {  	v7 =	vld [tilespmem:s20+$0x60]  }
0x3d: {  	v8 =	vld [tilespmem:s20+$0x40]  }
0x3e: {  	v9 =	vld [tilespmem:s20+$0xD0]  }
0x3f: {  	v10 =	vld [tilespmem:s20+$0xC0]  }
0x40: {  	v11 =	vld [tilespmem:s20+$0xB0]  }
0x41: {  	v12 =	vld [tilespmem:s20+$0x90]  }
0x42: {  	v14 =	vld [tilespmem:s20+$0xA0]  }
0x43: {  	v16 =	vld [tilespmem:s20+$0xE0]  }
0x44: {  	v13 =	vld [tilespmem:s20+$0xF0]  }
0x45: {  	v15 =	vld [tilespmem:s20+$0x0]  }
0x46: {  	v17 =	vld [tilespmem:s20+$0xFFFFF090]  }
0x47: {  	v18 =	vld [tilespmem:s20+$0xFFFFF0A0]  }
0x48: {  	v19 =	vld [tilespmem:s20+$0xFFFFF000]  }
0x49: {  	v20 =	vld [tilespmem:s20+$0xFFFFF0F0]  }
0x4a: {  	v21 =	vld [tilespmem:s20+$0xFFFFF010]  }
0x4b: {  	v22 =	vld [tilespmem:s20+$0xFFFFF030]  }
0x4c: {  	v23 =	vld [tilespmem:s20+$0xFFFFF050]  }
0x4d: {  	v25 =	vld [tilespmem:s20+$0xFFFFF040]  }
0x4e: {  	v26 =	vld [tilespmem:s20+$0xFFFFF0E0]  }
0x4f: {  	v28 =	vld [tilespmem:s20+$0xFFFFF0D0]  }
0x50: {  	v29 =	vld [tilespmem:s20+$0xFFFFF0C0];
	v24 =	vshrl.u32 v19, $0x10  }
0x51: {  	v30 =	vld [tilespmem:s20+$0xFFFFF0B0]  }
0x52: {  	v33 =	vld [tilespmem:s20+$0xFFFFF080];
	v27 =	vshrl.u32 v20, $0x10  }
0x53: {  	v35 =	vld [tilespmem:s20+$0xFFFFF070];
	v31 =	vshrl.u32 v25, $0x10  }
0x54: {  	v36 =	vld [tilespmem:s20+$0xFFFFF060];
	v32 =	vshrl.u32 v26, $0x10  }
0x55: {  	v34 =	vshrl.u32 v28, $0x10;
	v24 =	vld.idx.msk [tilespmem:v24+s2+$0x0], $0xffff  }
0x56: {  	v41 =	vld [tilespmem:s20+$0xFFFFF020];
	v37 =	vshrl.u32 v30, $0x10  }
0x57: {  	v38 =	vshrl.u32 v18, $0x10;
	v27 =	vld.idx.msk [tilespmem:v27+s2+$0x0], $0xffff  }
0x58: {  	v39 =	vshrl.u32 v17, $0x10;
	v31 =	vld.idx.msk [tilespmem:v31+s2+$0x0], $0xffff  }
0x59: {  	v42 =	vshrl.u32 v33, $0x10;
	v32 =	vld.idx.msk [tilespmem:v32+s2+$0x0], $0xffff  }
0x5a: {  	v55 =	vshrl.u32 v36, $0x10;
	v34 =	vld.idx.msk [tilespmem:v34+s2+$0x0], $0xffff;
	vm0 =	vgt.f32 v24, $0.0e+00  }
0x5b: {  	v19 =	vand.u32 $0xFFFF, v19;
	v37 =	vld.idx.msk [tilespmem:v37+s2+$0x0], $0xffff  }
0x5c: {  	v40 =	vshrl.u32 v29, $0x10;
	v54 =	vld.idx.msk [tilespmem:v38+s2+$0x0], $0xffff  }
0x5d: {  	v43 =	vshrl.u32 v23, $0x10;
	v39 =	vld.idx.msk [tilespmem:v39+s2+$0x0], $0xffff  }
0x5e: {  	v59 =	vshrl.u32 v35, $0x10;
	v58 =	vld.idx.msk [tilespmem:v42+s2+$0x0], $0xffff;
	vm1 =	vgt.f32 v27, $0.0e+00;
	v15 =	vmul.f32 v24, v15  }
0x5f: {  	v20 =	vand.u32 $0xFFFF, v20;
	v38 =	vld.idx.msk [tilespmem:v55+s2+$0x0], $0xffff  }
0x60: {  	v57 =	vshrl.u32 v21, $0x10;
	vm2 =	vgt.f32 v37, $0.0e+00;
	[tilespmem:v19+s15+$0x0] =	vst.idx.add.f32.msk vm0, v15  }
0x61: {  	v30 =	vand.u32 $0xFFFF, v30;
	v19 =	vld.idx.msk [tilespmem:v40+s2+$0x0], $0xffff  }
0x62: {  	v43 =	vld.idx.msk [tilespmem:v43+s2+$0x0], $0xffff;
	v13 =	vmul.f32 v27, v13;
	v15 =	vshrl.u32 v22, $0x10  }
0x63: {  	v56 =	vshrl.u32 v41, $0x10;
	v62 =	vld.idx.msk [tilespmem:v59+s2+$0x0], $0xffff;
	vm0 =	vgt.f32 v54, $0.0e+00  }
0x64: {  	v18 =	vand.u32 $0xFFFF, v18;
	v11 =	vmul.f32 v37, v11;
	[tilespmem:v20+s15+$0x0] =	vst.idx.add.f32.msk vm1, v13;
	vm1 =	vgt.f32 v39, $0.0e+00  }
0x65: {  	v17 =	vand.u32 $0xFFFF, v17;
	vm4 =	vgt.f32 v34, $0.0e+00;
	v20 =	vld.idx.msk [tilespmem:v57+s2+$0x0], $0xffff  }
0x66: {  	v61 =	vand.u32 $0xFFFF, v28;
	[tilespmem:v30+s15+$0x0] =	vst.idx.add.f32.msk vm2, v11;
	vm3 =	vgt.f32 v19, $0.0e+00  }
0x67: {  	v60 =	vand.u32 $0xFFFF, v29;
	v14 =	vmul.f32 v54, v14;
	vm5 =	vgt.f32 v32, $0.0e+00;
	v13 =	vld.idx.msk [tilespmem:v15+s2+$0x0], $0xffff  }
0x68: {  	v26 =	vand.u32 $0xFFFF, v26;
	v12 =	vmul.f32 v39, v12;
	vm6 =	vgt.f32 v38, $0.0e+00;
	v15 =	vld.idx.msk [tilespmem:v56+s2+$0x0], $0xffff  }
0x69: {  	vm7 =	vgt.f32 v43, $0.0e+00;
	v9 =	vmul.f32 v34, v9;
	[tilespmem:v18+s15+$0x0] =	vst.idx.add.f32.msk vm0, v14;
	v18 =	vand.u32 $0xFFFF, v36  }
0x6a: {  	vm8 =	vgt.f32 v58, $0.0e+00;
	[tilespmem:v17+s15+$0x0] =	vst.idx.add.f32.msk vm1, v12;
	v12 =	vmul.f32 v19, v10;
	v19 =	vand.u32 $0xFFFF, v23  }
0x6b: {  	v63 =	vand.u32 $0xFFFF, v33;
	v11 =	vmul.f32 v32, v16;
	[tilespmem:v61+s15+$0x0] =	vst.idx.add.f32.msk vm4, v9;
	vm1 =	vgt.f32 v31, $0.0e+00  }
0x6c: {  	v7 =	vmul.f32 v38, v7;
	v17 =	vand.u32 $0xFFFF, v25;
	[tilespmem:v60+s15+$0x0] =	vst.idx.add.f32.msk vm3, v12;
	vm3 =	vgt.f32 v20, $0.0e+00  }
0x6d: {  	v6 =	vmul.f32 v43, v6;
	v16 =	vand.u32 $0xFFFF, v21;
	vm4 =	vgt.f32 v62, $0.0e+00;
	[tilespmem:v26+s15+$0x0] =	vst.idx.add.f32.msk vm5, v11  }
0x6e: {  	v10 =	vand.u32 $0xFFFF, v35;
	vm2 =	vgt.f32 v15, $0.0e+00;
	[tilespmem:v18+s15+$0x0] =	vst.idx.add.f32.msk vm6, v7;
	v7 =	vmul.f32 v58, v4  }
0x6f: {  	v8 =	vmul.f32 v31, v8;
	v14 =	vand.u32 $0xFFFF, v41;
	vm0 =	vgt.f32 v13, $0.0e+00;
	[tilespmem:v19+s15+$0x0] =	vst.idx.add.f32.msk vm7, v6  }
0x70: {  	s21 =	simm.s32 $0x0;
	v5 =	vmul.f32 v62, v5;
	v3 =	vmul.f32 v20, v3;
	v4 =	vand.u32 $0xFFFF, v22;
	[tilespmem:v63+s15+$0x0] =	vst.idx.add.f32.msk vm8, v7  }
.LBB2_7:
0x71: {  	s21 =	sadd.s32 $0x10, s21;
	[tilespmem:v17+s15+$0x0] =	vst.idx.add.f32.msk vm1, v8;
	s20 =	sadd.s32 $0x100, s20  }
0x72: {  	v2 =	vmul.f32 v15, v2;
	v1 =	vmul.f32 v13, v1;
	p0 =	slt.u32 s21, $0xF0;
	[tilespmem:v16+s15+$0x0] =	vst.idx.add.f32.msk vm3, v3  }
0x73: {  	[tilespmem:v10+s15+$0x0] =	vst.idx.add.f32.msk vm4, v5  }
0x74: {  	[tilespmem:v14+s15+$0x0] =	vst.idx.add.f32.msk vm2, v2  }
0x75: {  	[tilespmem:v4+s15+$0x0] =	vst.idx.add.f32.msk vm0, v1  }
0x76: {  	v1 =	vld [tilespmem:s20+$0x30]  }
0x77: {  	v2 =	vld [tilespmem:s20+$0x20]  }
0x78: {  	v3 =	vld [tilespmem:s20+$0x10]  }
0x79: {  	v4 =	vld [tilespmem:s20+$0x80]  }
0x7a: {  	v5 =	vld [tilespmem:s20+$0x70]  }
0x7b: {  	v6 =	vld [tilespmem:s20+$0x50]  }
0x7c: {  	v7 =	vld [tilespmem:s20+$0x60]  }
0x7d: {  	v8 =	vld [tilespmem:s20+$0x40]  }
0x7e: {  	v9 =	vld [tilespmem:s20+$0xD0]  }
0x7f: {  	v12 =	vld [tilespmem:s20+$0xC0]  }
0x80: {  	v17 =	vld [tilespmem:s20+$0xB0]  }
0x81: {  	v18 =	vld [tilespmem:s20+$0x90]  }
0x82: {  	v19 =	vld [tilespmem:s20+$0xA0]  }
0x83: {  	v15 =	vld [tilespmem:s20+$0xE0]  }
0x84: {  	v13 =	vld [tilespmem:s20+$0xF0]  }
0x85: {  	v14 =	vld [tilespmem:s20+$0x0]  }
0x86: {  	v20 =	vld [tilespmem:s20+$0xFFFFF090]  }
0x87: {  	v21 =	vld [tilespmem:s20+$0xFFFFF0A0]  }
0x88: {  	v10 =	vld [tilespmem:s20+$0xFFFFF000]  }
0x89: {  	v16 =	vld [tilespmem:s20+$0xFFFFF0F0]  }
0x8a: {  	v22 =	vld [tilespmem:s20+$0xFFFFF010]  }
0x8b: {  	v11 =	vld [tilespmem:s20+$0xFFFFF030]  }
0x8c: {  	v23 =	vld [tilespmem:s20+$0xFFFFF050]  }
0x8d: {  	v24 =	vshrl.u32 v10, $0x10;
	v25 =	vld [tilespmem:s20+$0xFFFFF040]  }
0x8e: {  	v26 =	vld [tilespmem:s20+$0xFFFFF0E0];
	v27 =	vshrl.u32 v16, $0x10  }
0x8f: {  	v28 =	vld [tilespmem:s20+$0xFFFFF0D0]  }
0x90: {  	v29 =	vld [tilespmem:s20+$0xFFFFF0C0]  }
0x91: {  	v30 =	vld [tilespmem:s20+$0xFFFFF0B0]  }
0x92: {  	v24 =	vld.idx.msk [tilespmem:v24+s2+$0x0], $0xffff;
	v31 =	vshrl.u32 v25, $0x10  }
0x93: {  	v32 =	vshrl.u32 v26, $0x10;
	v27 =	vld.idx.msk [tilespmem:v27+s2+$0x0], $0xffff  }
0x94: {  	v33 =	vld [tilespmem:s20+$0xFFFFF080];
	v34 =	vshrl.u32 v28, $0x10  }
0x95: {  	v35 =	vld [tilespmem:s20+$0xFFFFF070]  }
0x96: {  	v36 =	vld [tilespmem:s20+$0xFFFFF060];
	v37 =	vshrl.u32 v30, $0x10  }
0x97: {  	v38 =	vshrl.u32 v21, $0x10;
	v31 =	vld.idx.msk [tilespmem:v31+s2+$0x0], $0xffff  }
0x98: {  	v40 =	vshrl.u32 v20, $0x10;
	v39 =	vand.u32 $0xFFFF, v10;
	vm0 =	vgt.f32 v24, $0.0e+00;
	v32 =	vld.idx.msk [tilespmem:v32+s2+$0x0], $0xffff  }
0x99: {  	v42 =	vshrl.u32 v29, $0x10;
	vm1 =	vgt.f32 v27, $0.0e+00;
	v41 =	vshrl.u32 v33, $0x10;
	v34 =	vld.idx.msk [tilespmem:v34+s2+$0x0], $0xffff  }
0x9a: {  	v43 =	vld [tilespmem:s20+$0xFFFFF020];
	v44 =	vshrl.u32 v35, $0x10;
	v10 =	vand.u32 $0xFFFF, v35  }
0x9b: {  	v45 =	vand.u32 $0xFFFF, v16;
	v35 =	vshrl.u32 v36, $0x10;
	v36 =	vand.u32 $0xFFFF, v36;
	v37 =	vld.idx.msk [tilespmem:v37+s2+$0x0], $0xffff  }
0x9c: {  	v14 =	vmul.f32 v24, v14;
	v24 =	vshrl.u32 v23, $0x10;
	v23 =	vand.u32 $0xFFFF, v23;
	v38 =	vld.idx.msk [tilespmem:v38+s2+$0x0], $0xffff  }
0x9d: {  	v13 =	vmul.f32 v27, v13;
	v40 =	vld.idx.msk [tilespmem:v40+s2+$0x0], $0xffff  }
0x9e: {  	v27 =	vshrl.u32 v11, $0x10;
	[tilespmem:v39+s15+$0x0] =	vst.idx.add.f32.msk vm0, v14  }
0x9f: {  	v39 =	vshrl.u32 v43, $0x10;
	v14 =	vand.u32 $0xFFFF, v43;
	v42 =	vld.idx.msk [tilespmem:v42+s2+$0x0], $0xffff  }
0xa0: {  	v16 =	vand.u32 $0xFFFF, v22;
	vm2 =	vgt.f32 v32, $0.0e+00;
	v43 =	vshrl.u32 v22, $0x10;
	[tilespmem:v45+s15+$0x0] =	vst.idx.add.f32.msk vm1, v13  }
0xa1: {  	v26 =	vand.u32 $0xFFFF, v26;
	v22 =	vld.idx.msk [tilespmem:v41+s2+$0x0], $0xffff  }
0xa2: {  	v28 =	vand.u32 $0xFFFF, v28;
	v30 =	vand.u32 $0xFFFF, v30;
	vm0 =	vgt.f32 v38, $0.0e+00;
	v35 =	vld.idx.msk [tilespmem:v35+s2+$0x0], $0xffff  }
0xa3: {  	v21 =	vand.u32 $0xFFFF, v21;
	vm4 =	vgt.f32 v37, $0.0e+00;
	vm3 =	vgt.f32 v40, $0.0e+00;
	v24 =	vld.idx.msk [tilespmem:v24+s2+$0x0], $0xffff  }
0xa4: {  	v20 =	vand.u32 $0xFFFF, v20;
	v13 =	vld.idx.msk [tilespmem:v27+s2+$0x0], $0xffff;
	v27 =	vmul.f32 v32, v15  }
0xa5: {  	v29 =	vand.u32 $0xFFFF, v29;
	vm6 =	vgt.f32 v34, $0.0e+00;
	vm5 =	vgt.f32 v42, $0.0e+00;
	v15 =	vld.idx.msk [tilespmem:v39+s2+$0x0], $0xffff  }
0xa6: {  	v19 =	vmul.f32 v38, v19;
	v32 =	vld.idx.msk [tilespmem:v43+s2+$0x0], $0xffff  }
0xa7: {  	v37 =	vmul.f32 v37, v17;
	v18 =	vmul.f32 v40, v18;
	v38 =	vld.idx.msk [tilespmem:v44+s2+$0x0], $0xffff  }
0xa8: {  	vm1 =	vgt.f32 v31, $0.0e+00;
	v17 =	vand.u32 $0xFFFF, v25;
	vm7 =	vgt.f32 v35, $0.0e+00;
	[tilespmem:v21+s15+$0x0] =	vst.idx.add.f32.msk vm0, v19  }
0xa9: {  	v12 =	vmul.f32 v42, v12;
	vm8 =	vgt.f32 v24, $0.0e+00;
	[tilespmem:v20+s15+$0x0] =	vst.idx.add.f32.msk vm3, v18  }
0xaa: {  	v9 =	vmul.f32 v34, v9;
	vm9 =	vgt.f32 v22, $0.0e+00;
	v18 =	vand.u32 $0xFFFF, v33;
	[tilespmem:v30+s15+$0x0] =	vst.idx.add.f32.msk vm4, v37  }
0xab: {  	vm0 =	vgt.f32 v13, $0.0e+00;
	[tilespmem:v29+s15+$0x0] =	vst.idx.add.f32.msk vm5, v12  }
.Ltmp4:
0xac: {  	v8 =	vmul.f32 v31, v8;
	v7 =	vmul.f32 v35, v7;
	vm3 =	vgt.f32 v32, $0.0e+00;
	[tilespmem:v28+s15+$0x0] =	vst.idx.add.f32.msk vm6, v9;
	(pc) =	sbr.rel @p0 .LBB2_7-.Ltmp4, $4  }
0xad: {  	v6 =	vmul.f32 v24, v6;
	v5 =	vmul.f32 v38, v5;
	vm4 =	vgt.f32 v38, $0.0e+00;
	[tilespmem:v26+s15+$0x0] =	vst.idx.add.f32.msk vm2, v27  }
0xae: {  	vm2 =	vgt.f32 v15, $0.0e+00;
	[tilespmem:v36+s15+$0x0] =	vst.idx.add.f32.msk vm7, v7;
	v7 =	vmul.f32 v22, v4  }
0xaf: {  	v4 =	vand.u32 $0xFFFF, v11;
	[tilespmem:v23+s15+$0x0] =	vst.idx.add.f32.msk vm8, v6  }
0xb0: {  	v3 =	vmul.f32 v32, v3;
	[tilespmem:v18+s15+$0x0] =	vst.idx.add.f32.msk vm9, v7  }
0xb1: {  	_ =	sdelay $0x4  }
0xb2: {  	[tilespmem:v17+s15+$0x0] =	vst.idx.add.f32.msk vm1, v8  }
0xb3: {  	v2 =	vmul.f32 v15, v2;
	s20 =	sshll.u32 s19, $0x1;
	p0 =	seq.s32 s19, $0x18;
	[tilespmem:v10+s15+$0x0] =	vst.idx.add.f32.msk vm4, v5  }
0xb4: {  	v1 =	vmul.f32 v13, v1;
	[tilespmem:v16+s15+$0x0] =	vst.idx.add.f32.msk vm3, v3;
	s21 =	sadd.s32 @!p0 s20, s7  }
0xb5: {  	[tilespmem:v14+s15+$0x0] =	vst.idx.add.f32.msk vm2, v2;
	s21 =	sshll.u32 @!p0 s21, $0xA  }
0xb6: {  	s22 =	simm.s32 @!p0 $0x0;
	s23 =	simm.s32 @!p0 $0x18700;
	[tilespmem:v4+s15+$0x0] =	vst.idx.add.f32.msk vm0, v1;
	s21 =	sadd.s32 @!p0 s3, s21  }
0xb7: {  	[tilespmem:s23], [sflag:$0x1] =	stream.linear.gather @!p0 [hbm4b:s21+s22], $0x2000, $0x38;
	[tilespmem:$0x1C700] =	vst v63  }
0xb8: {  	_ =	swait.ge [sflag:s16], $0x2000  }
0xb9: {  	[sflag:s16] =	ssyncset.done $0x0  }
0xba: {  	s21 =	simm.s32 $0x1B700;
	[sflag:s16] =	ssyncadd.s32 $0xFFFFE000  }
0xbb: {  	v1 =	vld [tilespmem:s21+$0x30]  }
0xbc: {  	v2 =	vld [tilespmem:s21+$0x20]  }
0xbd: {  	v3 =	vld [tilespmem:s21+$0x10]  }
0xbe: {  	v4 =	vld [tilespmem:s21+$0x80]  }
0xbf: {  	v5 =	vld [tilespmem:s21+$0x70]  }
0xc0: {  	v6 =	vld [tilespmem:s21+$0x50]  }
0xc1: {  	v7 =	vld [tilespmem:s21+$0x60]  }
0xc2: {  	v8 =	vld [tilespmem:s21+$0x40]  }
0xc3: {  	v9 =	vld [tilespmem:s21+$0xD0]  }
0xc4: {  	v10 =	vld [tilespmem:s21+$0xC0]  }
0xc5: {  	v11 =	vld [tilespmem:s21+$0xB0]  }
0xc6: {  	v12 =	vld [tilespmem:s21+$0x90]  }
0xc7: {  	v14 =	vld [tilespmem:s21+$0xA0]  }
0xc8: {  	v16 =	vld [tilespmem:s21+$0xE0]  }
0xc9: {  	v13 =	vld [tilespmem:s21+$0xF0]  }
0xca: {  	v15 =	vld [tilespmem:s21+$0x0]  }
0xcb: {  	v17 =	vld [tilespmem:s21+$0xFFFFF090]  }
0xcc: {  	v18 =	vld [tilespmem:s21+$0xFFFFF0A0]  }
0xcd: {  	v19 =	vld [tilespmem:s21+$0xFFFFF000]  }
0xce: {  	v20 =	vld [tilespmem:s21+$0xFFFFF0F0]  }
0xcf: {  	v21 =	vld [tilespmem:s21+$0xFFFFF010]  }
0xd0: {  	v22 =	vld [tilespmem:s21+$0xFFFFF030]  }
0xd1: {  	v23 =	vld [tilespmem:s21+$0xFFFFF050]  }
0xd2: {  	v25 =	vld [tilespmem:s21+$0xFFFFF040]  }
0xd3: {  	v26 =	vld [tilespmem:s21+$0xFFFFF0E0]  }
0xd4: {  	v28 =	vld [tilespmem:s21+$0xFFFFF0D0]  }
0xd5: {  	v29 =	vld [tilespmem:s21+$0xFFFFF0C0];
	v24 =	vshrl.u32 v19, $0x10  }
0xd6: {  	v30 =	vld [tilespmem:s21+$0xFFFFF0B0]  }
0xd7: {  	v33 =	vld [tilespmem:s21+$0xFFFFF080];
	v27 =	vshrl.u32 v20, $0x10  }
0xd8: {  	v35 =	vld [tilespmem:s21+$0xFFFFF070];
	v31 =	vshrl.u32 v25, $0x10  }
0xd9: {  	v36 =	vld [tilespmem:s21+$0xFFFFF060];
	v32 =	vshrl.u32 v26, $0x10  }
0xda: {  	v34 =	vshrl.u32 v28, $0x10;
	v24 =	vld.idx.msk [tilespmem:v24+s2+$0x0], $0xffff  }
0xdb: {  	v41 =	vld [tilespmem:s21+$0xFFFFF020];
	v37 =	vshrl.u32 v30, $0x10  }
0xdc: {  	v38 =	vshrl.u32 v18, $0x10;
	v27 =	vld.idx.msk [tilespmem:v27+s2+$0x0], $0xffff  }
0xdd: {  	v39 =	vshrl.u32 v17, $0x10;
	v31 =	vld.idx.msk [tilespmem:v31+s2+$0x0], $0xffff  }
0xde: {  	v42 =	vshrl.u32 v33, $0x10;
	v32 =	vld.idx.msk [tilespmem:v32+s2+$0x0], $0xffff  }
0xdf: {  	v55 =	vshrl.u32 v36, $0x10;
	v34 =	vld.idx.msk [tilespmem:v34+s2+$0x0], $0xffff;
	vm0 =	vgt.f32 v24, $0.0e+00  }
0xe0: {  	v19 =	vand.u32 $0xFFFF, v19;
	v37 =	vld.idx.msk [tilespmem:v37+s2+$0x0], $0xffff  }
0xe1: {  	v40 =	vshrl.u32 v29, $0x10;
	v54 =	vld.idx.msk [tilespmem:v38+s2+$0x0], $0xffff  }
0xe2: {  	v43 =	vshrl.u32 v23, $0x10;
	v39 =	vld.idx.msk [tilespmem:v39+s2+$0x0], $0xffff  }
0xe3: {  	v59 =	vshrl.u32 v35, $0x10;
	v58 =	vld.idx.msk [tilespmem:v42+s2+$0x0], $0xffff;
	vm1 =	vgt.f32 v27, $0.0e+00;
	v15 =	vmul.f32 v24, v15  }
0xe4: {  	v20 =	vand.u32 $0xFFFF, v20;
	v38 =	vld.idx.msk [tilespmem:v55+s2+$0x0], $0xffff  }
0xe5: {  	v57 =	vshrl.u32 v21, $0x10;
	vm2 =	vgt.f32 v37, $0.0e+00;
	[tilespmem:v19+s15+$0x0] =	vst.idx.add.f32.msk vm0, v15  }
0xe6: {  	v30 =	vand.u32 $0xFFFF, v30;
	v19 =	vld.idx.msk [tilespmem:v40+s2+$0x0], $0xffff  }
0xe7: {  	v43 =	vld.idx.msk [tilespmem:v43+s2+$0x0], $0xffff;
	v13 =	vmul.f32 v27, v13;
	v15 =	vshrl.u32 v22, $0x10  }
0xe8: {  	v56 =	vshrl.u32 v41, $0x10;
	v62 =	vld.idx.msk [tilespmem:v59+s2+$0x0], $0xffff;
	vm0 =	vgt.f32 v54, $0.0e+00  }
0xe9: {  	v18 =	vand.u32 $0xFFFF, v18;
	v11 =	vmul.f32 v37, v11;
	[tilespmem:v20+s15+$0x0] =	vst.idx.add.f32.msk vm1, v13;
	vm1 =	vgt.f32 v39, $0.0e+00  }
0xea: {  	v17 =	vand.u32 $0xFFFF, v17;
	vm4 =	vgt.f32 v34, $0.0e+00;
	v20 =	vld.idx.msk [tilespmem:v57+s2+$0x0], $0xffff  }
0xeb: {  	v61 =	vand.u32 $0xFFFF, v28;
	[tilespmem:v30+s15+$0x0] =	vst.idx.add.f32.msk vm2, v11;
	vm3 =	vgt.f32 v19, $0.0e+00  }
0xec: {  	v60 =	vand.u32 $0xFFFF, v29;
	v14 =	vmul.f32 v54, v14;
	vm5 =	vgt.f32 v32, $0.0e+00;
	v13 =	vld.idx.msk [tilespmem:v15+s2+$0x0], $0xffff  }
0xed: {  	v26 =	vand.u32 $0xFFFF, v26;
	v12 =	vmul.f32 v39, v12;
	vm6 =	vgt.f32 v38, $0.0e+00;
	v15 =	vld.idx.msk [tilespmem:v56+s2+$0x0], $0xffff  }
0xee: {  	vm7 =	vgt.f32 v43, $0.0e+00;
	v9 =	vmul.f32 v34, v9;
	[tilespmem:v18+s15+$0x0] =	vst.idx.add.f32.msk vm0, v14;
	v18 =	vand.u32 $0xFFFF, v36  }
0xef: {  	vm8 =	vgt.f32 v58, $0.0e+00;
	[tilespmem:v17+s15+$0x0] =	vst.idx.add.f32.msk vm1, v12;
	v12 =	vmul.f32 v19, v10;
	v19 =	vand.u32 $0xFFFF, v23  }
0xf0: {  	v63 =	vand.u32 $0xFFFF, v33;
	v11 =	vmul.f32 v32, v16;
	[tilespmem:v61+s15+$0x0] =	vst.idx.add.f32.msk vm4, v9;
	vm0 =	vgt.f32 v31, $0.0e+00  }
0xf1: {  	v7 =	vmul.f32 v38, v7;
	v17 =	vand.u32 $0xFFFF, v25;
	[tilespmem:v60+s15+$0x0] =	vst.idx.add.f32.msk vm3, v12;
	vm3 =	vgt.f32 v20, $0.0e+00  }
0xf2: {  	v6 =	vmul.f32 v43, v6;
	v16 =	vand.u32 $0xFFFF, v21;
	vm4 =	vgt.f32 v62, $0.0e+00;
	[tilespmem:v26+s15+$0x0] =	vst.idx.add.f32.msk vm5, v11  }
0xf3: {  	v10 =	vand.u32 $0xFFFF, v35;
	vm2 =	vgt.f32 v15, $0.0e+00;
	[tilespmem:v18+s15+$0x0] =	vst.idx.add.f32.msk vm6, v7;
	v7 =	vmul.f32 v58, v4  }
0xf4: {  	v8 =	vmul.f32 v31, v8;
	v14 =	vand.u32 $0xFFFF, v41;
	vm1 =	vgt.f32 v13, $0.0e+00;
	[tilespmem:v19+s15+$0x0] =	vst.idx.add.f32.msk vm7, v6  }
0xf5: {  	s22 =	simm.s32 $0x0;
	v5 =	vmul.f32 v62, v5;
	v3 =	vmul.f32 v20, v3;
	v4 =	vand.u32 $0xFFFF, v22;
	[tilespmem:v63+s15+$0x0] =	vst.idx.add.f32.msk vm8, v7  }
.LBB2_9:
0xf6: {  	s22 =	sadd.s32 $0x10, s22;
	[tilespmem:v17+s15+$0x0] =	vst.idx.add.f32.msk vm0, v8;
	s21 =	sadd.s32 $0x100, s21  }
0xf7: {  	v2 =	vmul.f32 v15, v2;
	v1 =	vmul.f32 v13, v1;
	p1 =	slt.u32 s22, $0xF0;
	[tilespmem:v16+s15+$0x0] =	vst.idx.add.f32.msk vm3, v3  }
0xf8: {  	[tilespmem:v10+s15+$0x0] =	vst.idx.add.f32.msk vm4, v5  }
0xf9: {  	[tilespmem:v14+s15+$0x0] =	vst.idx.add.f32.msk vm2, v2  }
0xfa: {  	[tilespmem:v4+s15+$0x0] =	vst.idx.add.f32.msk vm1, v1  }
0xfb: {  	v1 =	vld [tilespmem:s21+$0x30]  }
0xfc: {  	v2 =	vld [tilespmem:s21+$0x20]  }
0xfd: {  	v3 =	vld [tilespmem:s21+$0x10]  }
0xfe: {  	v4 =	vld [tilespmem:s21+$0x80]  }
0xff: {  	v5 =	vld [tilespmem:s21+$0x70]  }
0x100: {  	v6 =	vld [tilespmem:s21+$0x50]  }
0x101: {  	v7 =	vld [tilespmem:s21+$0x60]  }
0x102: {  	v8 =	vld [tilespmem:s21+$0x40]  }
0x103: {  	v9 =	vld [tilespmem:s21+$0xD0]  }
0x104: {  	v12 =	vld [tilespmem:s21+$0xC0]  }
0x105: {  	v17 =	vld [tilespmem:s21+$0xB0]  }
0x106: {  	v18 =	vld [tilespmem:s21+$0x90]  }
0x107: {  	v19 =	vld [tilespmem:s21+$0xA0]  }
0x108: {  	v15 =	vld [tilespmem:s21+$0xE0]  }
0x109: {  	v13 =	vld [tilespmem:s21+$0xF0]  }
0x10a: {  	v14 =	vld [tilespmem:s21+$0x0]  }
0x10b: {  	v20 =	vld [tilespmem:s21+$0xFFFFF090]  }
0x10c: {  	v21 =	vld [tilespmem:s21+$0xFFFFF0A0]  }
0x10d: {  	v10 =	vld [tilespmem:s21+$0xFFFFF000]  }
0x10e: {  	v16 =	vld [tilespmem:s21+$0xFFFFF0F0]  }
0x10f: {  	v22 =	vld [tilespmem:s21+$0xFFFFF010]  }
0x110: {  	v11 =	vld [tilespmem:s21+$0xFFFFF030]  }
0x111: {  	v23 =	vld [tilespmem:s21+$0xFFFFF050]  }
0x112: {  	v24 =	vshrl.u32 v10, $0x10;
	v25 =	vld [tilespmem:s21+$0xFFFFF040]  }
0x113: {  	v26 =	vld [tilespmem:s21+$0xFFFFF0E0];
	v27 =	vshrl.u32 v16, $0x10  }
0x114: {  	v28 =	vld [tilespmem:s21+$0xFFFFF0D0]  }
0x115: {  	v29 =	vld [tilespmem:s21+$0xFFFFF0C0]  }
0x116: {  	v30 =	vld [tilespmem:s21+$0xFFFFF0B0]  }
0x117: {  	v24 =	vld.idx.msk [tilespmem:v24+s2+$0x0], $0xffff;
	v31 =	vshrl.u32 v25, $0x10  }
0x118: {  	v32 =	vshrl.u32 v26, $0x10;
	v27 =	vld.idx.msk [tilespmem:v27+s2+$0x0], $0xffff  }
0x119: {  	v33 =	vld [tilespmem:s21+$0xFFFFF080];
	v34 =	vshrl.u32 v28, $0x10  }
0x11a: {  	v35 =	vld [tilespmem:s21+$0xFFFFF070]  }
0x11b: {  	v36 =	vld [tilespmem:s21+$0xFFFFF060];
	v37 =	vshrl.u32 v30, $0x10  }
0x11c: {  	v38 =	vshrl.u32 v21, $0x10;
	v31 =	vld.idx.msk [tilespmem:v31+s2+$0x0], $0xffff  }
0x11d: {  	v40 =	vshrl.u32 v20, $0x10;
	v39 =	vand.u32 $0xFFFF, v10;
	vm0 =	vgt.f32 v24, $0.0e+00;
	v32 =	vld.idx.msk [tilespmem:v32+s2+$0x0], $0xffff  }
0x11e: {  	v42 =	vshrl.u32 v29, $0x10;
	vm1 =	vgt.f32 v27, $0.0e+00;
	v41 =	vshrl.u32 v33, $0x10;
	v34 =	vld.idx.msk [tilespmem:v34+s2+$0x0], $0xffff  }
0x11f: {  	v43 =	vld [tilespmem:s21+$0xFFFFF020];
	v44 =	vshrl.u32 v35, $0x10;
	v10 =	vand.u32 $0xFFFF, v35  }
0x120: {  	v45 =	vand.u32 $0xFFFF, v16;
	v35 =	vshrl.u32 v36, $0x10;
	v36 =	vand.u32 $0xFFFF, v36;
	v37 =	vld.idx.msk [tilespmem:v37+s2+$0x0], $0xffff  }
0x121: {  	v14 =	vmul.f32 v24, v14;
	v24 =	vshrl.u32 v23, $0x10;
	v23 =	vand.u32 $0xFFFF, v23;
	v38 =	vld.idx.msk [tilespmem:v38+s2+$0x0], $0xffff  }
0x122: {  	v13 =	vmul.f32 v27, v13;
	v40 =	vld.idx.msk [tilespmem:v40+s2+$0x0], $0xffff  }
0x123: {  	v27 =	vshrl.u32 v11, $0x10;
	[tilespmem:v39+s15+$0x0] =	vst.idx.add.f32.msk vm0, v14  }
0x124: {  	v39 =	vshrl.u32 v43, $0x10;
	v14 =	vand.u32 $0xFFFF, v43;
	v42 =	vld.idx.msk [tilespmem:v42+s2+$0x0], $0xffff  }
0x125: {  	v16 =	vand.u32 $0xFFFF, v22;
	vm2 =	vgt.f32 v32, $0.0e+00;
	v43 =	vshrl.u32 v22, $0x10;
	[tilespmem:v45+s15+$0x0] =	vst.idx.add.f32.msk vm1, v13  }
0x126: {  	v26 =	vand.u32 $0xFFFF, v26;
	v22 =	vld.idx.msk [tilespmem:v41+s2+$0x0], $0xffff  }
0x127: {  	v28 =	vand.u32 $0xFFFF, v28;
	v30 =	vand.u32 $0xFFFF, v30;
	vm1 =	vgt.f32 v38, $0.0e+00;
	v35 =	vld.idx.msk [tilespmem:v35+s2+$0x0], $0xffff  }
0x128: {  	v21 =	vand.u32 $0xFFFF, v21;
	vm4 =	vgt.f32 v37, $0.0e+00;
	vm3 =	vgt.f32 v40, $0.0e+00;
	v24 =	vld.idx.msk [tilespmem:v24+s2+$0x0], $0xffff  }
0x129: {  	v20 =	vand.u32 $0xFFFF, v20;
	v13 =	vld.idx.msk [tilespmem:v27+s2+$0x0], $0xffff;
	v27 =	vmul.f32 v32, v15  }
0x12a: {  	v29 =	vand.u32 $0xFFFF, v29;
	vm6 =	vgt.f32 v34, $0.0e+00;
	vm5 =	vgt.f32 v42, $0.0e+00;
	v15 =	vld.idx.msk [tilespmem:v39+s2+$0x0], $0xffff  }
0x12b: {  	v19 =	vmul.f32 v38, v19;
	v32 =	vld.idx.msk [tilespmem:v43+s2+$0x0], $0xffff  }
0x12c: {  	v37 =	vmul.f32 v37, v17;
	v18 =	vmul.f32 v40, v18;
	v38 =	vld.idx.msk [tilespmem:v44+s2+$0x0], $0xffff  }
0x12d: {  	vm0 =	vgt.f32 v31, $0.0e+00;
	v17 =	vand.u32 $0xFFFF, v25;
	vm7 =	vgt.f32 v35, $0.0e+00;
	[tilespmem:v21+s15+$0x0] =	vst.idx.add.f32.msk vm1, v19  }
0x12e: {  	v12 =	vmul.f32 v42, v12;
	vm8 =	vgt.f32 v24, $0.0e+00;
	[tilespmem:v20+s15+$0x0] =	vst.idx.add.f32.msk vm3, v18  }
0x12f: {  	v9 =	vmul.f32 v34, v9;
	vm9 =	vgt.f32 v22, $0.0e+00;
	v18 =	vand.u32 $0xFFFF, v33;
	[tilespmem:v30+s15+$0x0] =	vst.idx.add.f32.msk vm4, v37  }
0x130: {  	vm1 =	vgt.f32 v13, $0.0e+00;
	[tilespmem:v29+s15+$0x0] =	vst.idx.add.f32.msk vm5, v12  }
.Ltmp5:
0x131: {  	v8 =	vmul.f32 v31, v8;
	v7 =	vmul.f32 v35, v7;
	vm3 =	vgt.f32 v32, $0.0e+00;
	[tilespmem:v28+s15+$0x0] =	vst.idx.add.f32.msk vm6, v9;
	(pc) =	sbr.rel @p1 .LBB2_9-.Ltmp5, $4  }
0x132: {  	v6 =	vmul.f32 v24, v6;
	v5 =	vmul.f32 v38, v5;
	vm4 =	vgt.f32 v38, $0.0e+00;
	[tilespmem:v26+s15+$0x0] =	vst.idx.add.f32.msk vm2, v27  }
0x133: {  	vm2 =	vgt.f32 v15, $0.0e+00;
	[tilespmem:v36+s15+$0x0] =	vst.idx.add.f32.msk vm7, v7;
	v7 =	vmul.f32 v22, v4  }
0x134: {  	v4 =	vand.u32 $0xFFFF, v11;
	[tilespmem:v23+s15+$0x0] =	vst.idx.add.f32.msk vm8, v6  }
0x135: {  	v3 =	vmul.f32 v32, v3;
	[tilespmem:v18+s15+$0x0] =	vst.idx.add.f32.msk vm9, v7  }
0x136: {  	_ =	sdelay $0x4  }
.Ltmp6:
0x137: {  	[tilespmem:v17+s15+$0x0] =	vst.idx.add.f32.msk vm0, v8;
	(pc) =	sbr.rel @p0 .LBB2_12-.Ltmp6, $4  }
0x138: {  	v2 =	vmul.f32 v15, v2;
	[tilespmem:v10+s15+$0x0] =	vst.idx.add.f32.msk vm4, v5  }
0x139: {  	v1 =	vmul.f32 v13, v1;
	[tilespmem:v16+s15+$0x0] =	vst.idx.add.f32.msk vm3, v3  }
0x13a: {  	[tilespmem:v14+s15+$0x0] =	vst.idx.add.f32.msk vm2, v2  }
0x13b: {  	[tilespmem:v4+s15+$0x0] =	vst.idx.add.f32.msk vm1, v1  }
.Ltmp7:
0x13c: {  	(pc) =	sbr.rel .LBB2_6-.Ltmp7, $4  }
0x13d: {  	s20 =	sadd.s32 s20, s8  }
0x13e: {  	s20 =	sshll.u32 s20, $0xA  }
0x13f: {  	s19 =	sadd.s32 $0x1, s19;
	s20 =	sadd.s32 s3, s20  }
0x140: {  	[tilespmem:s13], [sflag:$0x2] =	stream.linear.gather [hbm4b:s20+s2], $0x2000, $0x38;
	[tilespmem:$0x1C700] =	vst v63  }
.LBB2_13:
0x141: {  	_ =	sfence.sel $0x180000  }
0x142: {  	[bflag:$0x0] =	sbarrier.arrive $0xFFFF  }
0x143: {  	p0 =	sne.s32 s0, $0x0;
	_ =	strace $0x90000047  }
0x144: {  	s0 =	sadd.s32 @!p0 $0x100000, s1;
	[bflag:$0x2] =	sbarrier.arrive $0xFFFF  }
0x145: {  	[sflag:s0] =	ssyncadd.tile.s32 @!p0 $0x1;
	_ =	shalt  }
.Lfunc_end2:
_tile_overlayer_lowered:
.L_overlay_start_2:
0x146: {  	(tag) =	ssettag $0x2  }
0x147: {  	s0 =	rddreg [dreg:$0x0];
	s2 =	stileid.u32  }
0x148: {  	s1 =	rddreg [dreg:$0x1];
	p0 =	sne.s32 s2, $0x0  }
0x149: {  	s3 =	rddreg [dreg:$0x2];
	[bflag:$0x3] =	sbarrier.arrive $0xFFFF;
	s2 =	simm.s32 @!p0 $0x1C04  }
0x14a: {  	[timem:s3], [sflag:s2] =	dma.local @!p0 [hbm:s0], s1  }
0x14b: {  	s0 =	simm.s32 @!p0 $0x4  }
0x14c: {  	_ =	swait.ge @!p0 [sflag:s0], s1  }
0x14d: {  	s1 =	ssub.s32 @!p0 $0x0, s1;
	[sflag:s0] =	ssyncset.done @!p0 $0x0  }
0x14e: {  	[sflag:s0] =	ssyncadd.s32 @!p0 s1  }
0x14f: {  	[bflag:$0x3] =	sbarrier.arrive $0xFFFF  }
0x150: {  	_ =	shalt  }

</sc_bundles>
